<compile_context>
chip_gen: v7x
topology: tpu7x:2x2x1
jax: 0.10.2.dev20260603
libtpu: 0.0.44.dev20260713+nightly
codegen_flags: <defaults>
</compile_context>

<pallas_src>
import jax
import jax.numpy as jnp
from jax import lax
from jax.experimental import pallas as pl
from jax.experimental.pallas import tpu as pltpu
from jax.experimental.pallas import tpu_sc as plsc

D = 64
L = 200
LANE = 16
NJ = D // LANE
R = 8
TB = 16384

_info = plsc.get_sparse_core_info()
NC = _info.num_cores
NS = _info.num_subcores
NW = NC * NS




def _tr_tc_body(in_ref, out_ref):
    t = lax.dot_general(
        in_ref[...], jnp.eye(D, dtype=jnp.float32),
        (((0,), (0,)), ((), ())),
        preferred_element_type=jnp.float32)
    out_ref[...] = jnp.concatenate(
        [t[:TB // 2, :], t[TB // 2:, :]], axis=1)


def _transpose_table_tc(embt):
    v = embt.shape[1]
    grid = v // TB
    return pl.pallas_call(
        _tr_tc_body,
        grid=(grid,),
        in_specs=[pl.BlockSpec((D, TB), lambda i: (0, i))],
        out_specs=pl.BlockSpec((TB // 2, 2 * D), lambda i: (i, 0)),
        out_shape=jax.ShapeDtypeStruct((v // 2, 2 * D), jnp.float32),
    )(embt)




def _reduce_rows(rows_ref):
    def body(l, acc):
        a = tuple(
            acc[j] + rows_ref[2 * l, pl.ds(LANE * j, LANE)]
            for j in range(NJ))
        b = tuple(
            acc[NJ + j] + rows_ref[2 * l + 1, pl.ds(LANE * j, LANE)]
            for j in range(NJ))
        return a + b

    acc = lax.fori_loop(
        0, L // 2, body,
        tuple(jnp.zeros((LANE,), jnp.float32) for _ in range(2 * NJ)))
    return tuple(acc[j] + acc[NJ + j] for j in range(NJ))


def _pool_body(xf_hbm, emb_hbm, out_hbm, *scr):
    idx = scr[0:R]
    rows = scr[R:2 * R]
    out_v = scr[2 * R]
    sem_i = scr[2 * R + 1:3 * R + 1]
    sem_g = scr[3 * R + 1:4 * R + 1]

    bpw = out_hbm.shape[0] // NW
    niter = bpw // R
    wid = lax.axis_index("s") * NC + lax.axis_index("c")
    base = wid * bpw
    maxid = base + bpw - 1

    def stage(g, u):
        pltpu.async_copy(xf_hbm.at[pl.ds(g * L, L)], idx[u], sem_i[u])

    def wait_stage(u):
        pltpu.make_async_copy(
            xf_hbm.at[pl.ds(0, L)], idx[u], sem_i[u]).wait()

    def gather(u):
        pltpu.async_copy(emb_hbm.at[idx[u]], rows[u], sem_g[u])

    def wait_gather(u):
        pltpu.make_async_copy(emb_hbm.at[idx[u]], rows[u], sem_g[u]).wait()

    for u in range(R):
        stage(base + u, u)
    for u in range(R):
        wait_stage(u)
        gather(u)

    def body(t, carry):
        tbase = base + t * R
        for u in range(R):
            wait_gather(u)
            stage(jnp.minimum(tbase + R + u, maxid), u)
            acc = _reduce_rows(rows[u])
            for j in range(NJ):
                out_v[u, pl.ds(LANE * j, LANE)] = acc[j]
            wait_stage(u)
            gather(u)
        pltpu.sync_copy(out_v, out_hbm.at[pl.ds(tbase, R)])
        return carry

    lax.fori_loop(0, niter, body, 0)
    for u in range(R):
        wait_gather(u)


def _pooled_sums(xf, emb, b):
    mesh = plsc.VectorSubcoreMesh(core_axis_name="c", subcore_axis_name="s")
    scratch = (
        [pltpu.VMEM((L,), jnp.int32) for _ in range(R)]
        + [pltpu.VMEM((L, D), jnp.float32) for _ in range(R)]
        + [pltpu.VMEM((R, D), jnp.float32)]
        + [pltpu.SemaphoreType.DMA for _ in range(2 * R)]
    )
    return pl.kernel(
        _pool_body,
        out_type=jax.ShapeDtypeStruct((b, D), jnp.float32),
        mesh=mesh,
        compiler_params=pltpu.CompilerParams(use_tc_tiling_on_sc=False),
        scratch_types=scratch,
    )(xf, emb)




def _mlp_body(s_ref, x_ref, e0_ref, w1_ref, b1_ref, w2_ref, b2_ref,
              w3t_ref, b3_ref, out_ref):
    count0 = jnp.sum((x_ref[...] == 0).astype(jnp.float32), axis=1,
                     keepdims=True)
    pooled = (s_ref[...] - count0 * e0_ref[...]) * jnp.float32(1.0 / L)
    h1 = jnp.maximum(
        jnp.dot(pooled, w1_ref[...], preferred_element_type=jnp.float32)
        + b1_ref[...], 0.0)
    h2 = jnp.maximum(
        jnp.dot(h1, w2_ref[...], preferred_element_type=jnp.float32)
        + b2_ref[...], 0.0)
    o = jnp.sum(h2 * w3t_ref[...], axis=1, keepdims=True) + b3_ref[...]
    out_ref[...] = jax.nn.sigmoid(o)


def _mlp(sums, x, emb0, W1, b1, W2, b2, W3, b3):
    b = sums.shape[0]
    blk = 1024
    grid = b // blk
    h = W2.shape[1]
    out = pl.pallas_call(
        _mlp_body,
        grid=(grid,),
        in_specs=[
            pl.BlockSpec((blk, D), lambda i: (i, 0)),
            pl.BlockSpec((blk, L), lambda i: (i, 0)),
            pl.BlockSpec((1, D), lambda i: (0, 0)),
            pl.BlockSpec((D, D), lambda i: (0, 0)),
            pl.BlockSpec((1, D), lambda i: (0, 0)),
            pl.BlockSpec((D, h), lambda i: (0, 0)),
            pl.BlockSpec((1, h), lambda i: (0, 0)),
            pl.BlockSpec((1, h), lambda i: (0, 0)),
            pl.BlockSpec((1, 1), lambda i: (0, 0)),
        ],
        out_specs=pl.BlockSpec((blk, 1), lambda i: (i, 0)),
        out_shape=jax.ShapeDtypeStruct((b, 1), jnp.float32),
    )(sums, x, emb0, W1, b1.reshape(1, -1), W2, b2.reshape(1, -1),
      W3.reshape(1, -1), b3.reshape(1, 1))
    return out[:, 0]


def kernel(x, emb, W1, b1, W2, b2, W3, b3):
    v = emb.shape[0]
    paired = _transpose_table_tc(emb.T)
    tail = (v // TB) * TB
    if tail < v:
        paired = paired.at[tail // 2:].set(emb[tail:].reshape(-1, 2 * D))
    emb2 = paired.reshape(-1).reshape(emb.shape)
    q = x % TB
    h = q // (TB // 2)
    xt = jnp.where(x < tail, (x - q) + 2 * (q - h * (TB // 2)) + h, x)
    sums = _pooled_sums(xt.reshape(-1), emb2, x.shape[0])
    return _mlp(sums, x, emb[0:1, :], W1, b1, W2, b2, W3, b3)

# --- scband reference (transcript-rebuilt; emitter-appended) ---
"""Pipeline reference for scband-simple-bug-predictor-63513976373812 (READ-ONLY COPY).

The authoritative reference and input builder live on the scoring server;
editing this copy changes nothing except your own understanding.
"""

import jax, jax.numpy as jnp
import numpy as np

VOCAB = 1000000
EMBED_DIM = 64
HIDDEN_DIM = 64
BATCH = 16384
HIST = 200


def setup_inputs(seed: int = 0) -> dict:
    key = jax.random.key(seed)
    ks = jax.random.split(key, 8)
    x = jax.random.randint(ks[0], (BATCH, HIST), 0, VOCAB, dtype=jnp.int32)
    emb = jax.random.normal(ks[1], (VOCAB, EMBED_DIM), dtype=jnp.float32)
    W1 = jax.random.normal(ks[2], (EMBED_DIM, HIDDEN_DIM), dtype=jnp.float32) * (1.0 / np.sqrt(EMBED_DIM))
    b1 = jnp.zeros((HIDDEN_DIM,), dtype=jnp.float32)
    W2 = jax.random.normal(ks[3], (HIDDEN_DIM, HIDDEN_DIM // 2), dtype=jnp.float32) * (1.0 / np.sqrt(HIDDEN_DIM))
    b2 = jnp.zeros((HIDDEN_DIM // 2,), dtype=jnp.float32)
    W3 = jax.random.normal(ks[4], (HIDDEN_DIM // 2, 1), dtype=jnp.float32) * (1.0 / np.sqrt(HIDDEN_DIM // 2))
    b3 = jnp.zeros((1,), dtype=jnp.float32)
    return {"x": x, "emb": emb, "W1": W1, "b1": b1, "W2": W2, "b2": b2, "W3": W3, "b3": b3}


def reference(x, emb, W1, b1, W2, b2, W3, b3):
    # padding_idx=0: row 0 of the table is fixed to zero
    emb_eff = emb.at[0].set(0.0)
    embedded = jnp.take(emb_eff, x, axis=0)          # [B, L, D] gather
    pooled = jnp.mean(embedded, axis=1)              # [B, D]
    h1 = jax.nn.relu(pooled @ W1 + b1)
    # dropout is identity in eval mode
    h2 = jax.nn.relu(h1 @ W2 + b2)
    out = jax.nn.sigmoid(h2 @ W3 + b3)
    return jnp.squeeze(out, axis=-1)

if __name__ == "__main__":
    import jax
    _d = setup_inputs()
    print(jax.jit(kernel)(*tuple(_d.values())))

</pallas_src>

<mosaic_0001>
#map = affine_map<(d0, d1) -> (0)>
#map1 = affine_map<(d0, d1) -> (0, 0)>
module attributes {stable_mosaic.version = 14 : i64} {
  func.func @_pool_body(%arg0: i32, %arg1: i32, %arg2: memref<3276800xi32, #tpu.memory_space<hbm>>, %arg3: memref<1000000x64xf32, #tpu.memory_space<hbm>>, %arg4: memref<16384x64xf32, #tpu.memory_space<hbm>>, %arg5: memref<200xi32, #tpu.memory_space<vmem>>, %arg6: memref<200xi32, #tpu.memory_space<vmem>>, %arg7: memref<200xi32, #tpu.memory_space<vmem>>, %arg8: memref<200xi32, #tpu.memory_space<vmem>>, %arg9: memref<200xi32, #tpu.memory_space<vmem>>, %arg10: memref<200xi32, #tpu.memory_space<vmem>>, %arg11: memref<200xi32, #tpu.memory_space<vmem>>, %arg12: memref<200xi32, #tpu.memory_space<vmem>>, %arg13: memref<200x64xf32, #tpu.memory_space<vmem>>, %arg14: memref<200x64xf32, #tpu.memory_space<vmem>>, %arg15: memref<200x64xf32, #tpu.memory_space<vmem>>, %arg16: memref<200x64xf32, #tpu.memory_space<vmem>>, %arg17: memref<200x64xf32, #tpu.memory_space<vmem>>, %arg18: memref<200x64xf32, #tpu.memory_space<vmem>>, %arg19: memref<200x64xf32, #tpu.memory_space<vmem>>, %arg20: memref<200x64xf32, #tpu.memory_space<vmem>>, %arg21: memref<8x64xf32, #tpu.memory_space<vmem>>, %arg22: memref<!tpu.dma_semaphore, #tpu.memory_space<semaphore_mem>>, %arg23: memref<!tpu.dma_semaphore, #tpu.memory_space<semaphore_mem>>, %arg24: memref<!tpu.dma_semaphore, #tpu.memory_space<semaphore_mem>>, %arg25: memref<!tpu.dma_semaphore, #tpu.memory_space<semaphore_mem>>, %arg26: memref<!tpu.dma_semaphore, #tpu.memory_space<semaphore_mem>>, %arg27: memref<!tpu.dma_semaphore, #tpu.memory_space<semaphore_mem>>, %arg28: memref<!tpu.dma_semaphore, #tpu.memory_space<semaphore_mem>>, %arg29: memref<!tpu.dma_semaphore, #tpu.memory_space<semaphore_mem>>, %arg30: memref<!tpu.dma_semaphore, #tpu.memory_space<semaphore_mem>>, %arg31: memref<!tpu.dma_semaphore, #tpu.memory_space<semaphore_mem>>, %arg32: memref<!tpu.dma_semaphore, #tpu.memory_space<semaphore_mem>>, %arg33: memref<!tpu.dma_semaphore, #tpu.memory_space<semaphore_mem>>, %arg34: memref<!tpu.dma_semaphore, #tpu.memory_space<semaphore_mem>>, %arg35: memref<!tpu.dma_semaphore, #tpu.memory_space<semaphore_mem>>, %arg36: memref<!tpu.dma_semaphore, #tpu.memory_space<semaphore_mem>>, %arg37: memref<!tpu.dma_semaphore, #tpu.memory_space<semaphore_mem>>) attributes {dimension_semantics = [#tpu.dimension_semantics<core_parallel>, #tpu.dimension_semantics<subcore_parallel>], iteration_bounds = array<i64: 2, 16>, scalar_prefetch = 0 : i64, scratch_operands = 33 : i64, tpu.core_type = #tpu.core_type<sc_vector_subcore>, window_params = [{transform_indices = #map}, {transform_indices = #map1}, {transform_indices = #map1}]} {
    %mul3A = arith.constant 2 : i32
    %mul3A_0 = arith.muli %arg1, %mul3A : i32
    %add3A = arith.addi %mul3A_0, %arg0 : i32
    %mul3A_1 = arith.constant 512 : i32
    %mul3A_2 = arith.muli %add3A, %mul3A_1 : i32
    %add3A_3 = arith.constant 512 : i32
    %add3A_4 = arith.addi %mul3A_2, %add3A_3 : i32
    %sub3A = arith.constant 1 : i32
    %sub3A_5 = arith.subi %add3A_4, %sub3A : i32
    %add3A_6 = arith.constant 0 : i32
    %add3A_7 = arith.addi %mul3A_2, %add3A_6 : i32
    %mul3A_8 = arith.constant 200 : i32
    %mul3A_9 = arith.muli %add3A_7, %mul3A_8 : i32
    %dma_start3A = tpu.memref_slice %arg2[%mul3A_9] : memref<3276800xi32, #tpu.memory_space<hbm>> -> memref<200xi32, #tpu.memory_space<hbm>>
    %dma_start3A_10 = tpu.memref_slice %arg2[%mul3A_9] : memref<3276800xi32, #tpu.memory_space<hbm>> -> memref<200xi32, #tpu.memory_space<hbm>>
    tpu.enqueue_dma source(%dma_start3A_10 : memref<200xi32, #tpu.memory_space<hbm>>) target(%arg5 : memref<200xi32, #tpu.memory_space<vmem>>) target_semaphore(%arg22 : memref<!tpu.dma_semaphore, #tpu.memory_space<semaphore_mem>>)
    %add3A_11 = arith.constant 1 : i32
    %add3A_12 = arith.addi %mul3A_2, %add3A_11 : i32
    %mul3A_13 = arith.constant 200 : i32
    %mul3A_14 = arith.muli %add3A_12, %mul3A_13 : i32
    %dma_start3A_15 = tpu.memref_slice %arg2[%mul3A_14] : memref<3276800xi32, #tpu.memory_space<hbm>> -> memref<200xi32, #tpu.memory_space<hbm>>
    %dma_start3A_16 = tpu.memref_slice %arg2[%mul3A_14] : memref<3276800xi32, #tpu.memory_space<hbm>> -> memref<200xi32, #tpu.memory_space<hbm>>
    tpu.enqueue_dma source(%dma_start3A_16 : memref<200xi32, #tpu.memory_space<hbm>>) target(%arg6 : memref<200xi32, #tpu.memory_space<vmem>>) target_semaphore(%arg23 : memref<!tpu.dma_semaphore, #tpu.memory_space<semaphore_mem>>)
    %add3A_17 = arith.constant 2 : i32
    %add3A_18 = arith.addi %mul3A_2, %add3A_17 : i32
    %mul3A_19 = arith.constant 200 : i32
    %mul3A_20 = arith.muli %add3A_18, %mul3A_19 : i32
    %dma_start3A_21 = tpu.memref_slice %arg2[%mul3A_20] : memref<3276800xi32, #tpu.memory_space<hbm>> -> memref<200xi32, #tpu.memory_space<hbm>>
    %dma_start3A_22 = tpu.memref_slice %arg2[%mul3A_20] : memref<3276800xi32, #tpu.memory_space<hbm>> -> memref<200xi32, #tpu.memory_space<hbm>>
    tpu.enqueue_dma source(%dma_start3A_22 : memref<200xi32, #tpu.memory_space<hbm>>) target(%arg7 : memref<200xi32, #tpu.memory_space<vmem>>) target_semaphore(%arg24 : memref<!tpu.dma_semaphore, #tpu.memory_space<semaphore_mem>>)
    %add3A_23 = arith.constant 3 : i32
    %add3A_24 = arith.addi %mul3A_2, %add3A_23 : i32
    %mul3A_25 = arith.constant 200 : i32
    %mul3A_26 = arith.muli %add3A_24, %mul3A_25 : i32
    %dma_start3A_27 = tpu.memref_slice %arg2[%mul3A_26] : memref<3276800xi32, #tpu.memory_space<hbm>> -> memref<200xi32, #tpu.memory_space<hbm>>
    %dma_start3A_28 = tpu.memref_slice %arg2[%mul3A_26] : memref<3276800xi32, #tpu.memory_space<hbm>> -> memref<200xi32, #tpu.memory_space<hbm>>
    tpu.enqueue_dma source(%dma_start3A_28 : memref<200xi32, #tpu.memory_space<hbm>>) target(%arg8 : memref<200xi32, #tpu.memory_space<vmem>>) target_semaphore(%arg25 : memref<!tpu.dma_semaphore, #tpu.memory_space<semaphore_mem>>)
    %add3A_29 = arith.constant 4 : i32
    %add3A_30 = arith.addi %mul3A_2, %add3A_29 : i32
    %mul3A_31 = arith.constant 200 : i32
    %mul3A_32 = arith.muli %add3A_30, %mul3A_31 : i32
    %dma_start3A_33 = tpu.memref_slice %arg2[%mul3A_32] : memref<3276800xi32, #tpu.memory_space<hbm>> -> memref<200xi32, #tpu.memory_space<hbm>>
    %dma_start3A_34 = tpu.memref_slice %arg2[%mul3A_32] : memref<3276800xi32, #tpu.memory_space<hbm>> -> memref<200xi32, #tpu.memory_space<hbm>>
    tpu.enqueue_dma source(%dma_start3A_34 : memref<200xi32, #tpu.memory_space<hbm>>) target(%arg9 : memref<200xi32, #tpu.memory_space<vmem>>) target_semaphore(%arg26 : memref<!tpu.dma_semaphore, #tpu.memory_space<semaphore_mem>>)
    %add3A_35 = arith.constant 5 : i32
    %add3A_36 = arith.addi %mul3A_2, %add3A_35 : i32
    %mul3A_37 = arith.constant 200 : i32
    %mul3A_38 = arith.muli %add3A_36, %mul3A_37 : i32
    %dma_start3A_39 = tpu.memref_slice %arg2[%mul3A_38] : memref<3276800xi32, #tpu.memory_space<hbm>> -> memref<200xi32, #tpu.memory_space<hbm>>
    %dma_start3A_40 = tpu.memref_slice %arg2[%mul3A_38] : memref<3276800xi32, #tpu.memory_space<hbm>> -> memref<200xi32, #tpu.memory_space<hbm>>
    tpu.enqueue_dma source(%dma_start3A_40 : memref<200xi32, #tpu.memory_space<hbm>>) target(%arg10 : memref<200xi32, #tpu.memory_space<vmem>>) target_semaphore(%arg27 : memref<!tpu.dma_semaphore, #tpu.memory_space<semaphore_mem>>)
    %add3A_41 = arith.constant 6 : i32
    %add3A_42 = arith.addi %mul3A_2, %add3A_41 : i32
    %mul3A_43 = arith.constant 200 : i32
    %mul3A_44 = arith.muli %add3A_42, %mul3A_43 : i32
    %dma_start3A_45 = tpu.memref_slice %arg2[%mul3A_44] : memref<3276800xi32, #tpu.memory_space<hbm>> -> memref<200xi32, #tpu.memory_space<hbm>>
    %dma_start3A_46 = tpu.memref_slice %arg2[%mul3A_44] : memref<3276800xi32, #tpu.memory_space<hbm>> -> memref<200xi32, #tpu.memory_space<hbm>>
    tpu.enqueue_dma source(%dma_start3A_46 : memref<200xi32, #tpu.memory_space<hbm>>) target(%arg11 : memref<200xi32, #tpu.memory_space<vmem>>) target_semaphore(%arg28 : memref<!tpu.dma_semaphore, #tpu.memory_space<semaphore_mem>>)
    %add3A_47 = arith.constant 7 : i32
    %add3A_48 = arith.addi %mul3A_2, %add3A_47 : i32
    %mul3A_49 = arith.constant 200 : i32
    %mul3A_50 = arith.muli %add3A_48, %mul3A_49 : i32
    %dma_start3A_51 = tpu.memref_slice %arg2[%mul3A_50] : memref<3276800xi32, #tpu.memory_space<hbm>> -> memref<200xi32, #tpu.memory_space<hbm>>
    %dma_start3A_52 = tpu.memref_slice %arg2[%mul3A_50] : memref<3276800xi32, #tpu.memory_space<hbm>> -> memref<200xi32, #tpu.memory_space<hbm>>
    tpu.enqueue_dma source(%dma_start3A_52 : memref<200xi32, #tpu.memory_space<hbm>>) target(%arg12 : memref<200xi32, #tpu.memory_space<vmem>>) target_semaphore(%arg29 : memref<!tpu.dma_semaphore, #tpu.memory_space<semaphore_mem>>)
    %dma_wait3A = arith.constant 0 : i32
    %dma_wait3A_53 = tpu.memref_slice %arg2[%dma_wait3A] : memref<3276800xi32, #tpu.memory_space<hbm>> -> memref<200xi32, #tpu.memory_space<hbm>>
    %dma_wait3A_54 = arith.constant 0 : i32
    %dma_wait3A_55 = tpu.memref_slice %arg2[%dma_wait3A_54] : memref<3276800xi32, #tpu.memory_space<hbm>> -> memref<200xi32, #tpu.memory_space<hbm>>
    tpu.wait_dma2 semaphore(%arg22 : memref<!tpu.dma_semaphore, #tpu.memory_space<semaphore_mem>>) src(%dma_wait3A_55 : memref<200xi32, #tpu.memory_space<hbm>>) dst(%arg5 : memref<200xi32, #tpu.memory_space<vmem>>)
    %dma_start3A_56 = arith.constant 0 : i32
    %dma_start3A_57 = arith.constant 0 : i32
    %dma_start3A_58 = tpu.memref_slice %arg3[%dma_start3A_56, %dma_start3A_57] : memref<1000000x64xf32, #tpu.memory_space<hbm>> -> memref<1000000x64xf32, #tpu.memory_space<hbm>>
    tpu.enqueue_indirect_dma source(%dma_start3A_58 : memref<1000000x64xf32, #tpu.memory_space<hbm>>) target(%arg13 : memref<200x64xf32, #tpu.memory_space<vmem>>) offsets(%arg5 : memref<200xi32, #tpu.memory_space<vmem>>) semaphore(%arg30 : memref<!tpu.dma_semaphore, #tpu.memory_space<semaphore_mem>>)
    %dma_wait3A_59 = arith.constant 0 : i32
    %dma_wait3A_60 = tpu.memref_slice %arg2[%dma_wait3A_59] : memref<3276800xi32, #tpu.memory_space<hbm>> -> memref<200xi32, #tpu.memory_space<hbm>>
    %dma_wait3A_61 = arith.constant 0 : i32
    %dma_wait3A_62 = tpu.memref_slice %arg2[%dma_wait3A_61] : memref<3276800xi32, #tpu.memory_space<hbm>> -> memref<200xi32, #tpu.memory_space<hbm>>
    tpu.wait_dma2 semaphore(%arg23 : memref<!tpu.dma_semaphore, #tpu.memory_space<semaphore_mem>>) src(%dma_wait3A_62 : memref<200xi32, #tpu.memory_space<hbm>>) dst(%arg6 : memref<200xi32, #tpu.memory_space<vmem>>)
    %dma_start3A_63 = arith.constant 0 : i32
    %dma_start3A_64 = arith.constant 0 : i32
    %dma_start3A_65 = tpu.memref_slice %arg3[%dma_start3A_63, %dma_start3A_64] : memref<1000000x64xf32, #tpu.memory_space<hbm>> -> memref<1000000x64xf32, #tpu.memory_space<hbm>>
    tpu.enqueue_indirect_dma source(%dma_start3A_65 : memref<1000000x64xf32, #tpu.memory_space<hbm>>) target(%arg14 : memref<200x64xf32, #tpu.memory_space<vmem>>) offsets(%arg6 : memref<200xi32, #tpu.memory_space<vmem>>) semaphore(%arg31 : memref<!tpu.dma_semaphore, #tpu.memory_space<semaphore_mem>>)
    %dma_wait3A_66 = arith.constant 0 : i32
    %dma_wait3A_67 = tpu.memref_slice %arg2[%dma_wait3A_66] : memref<3276800xi32, #tpu.memory_space<hbm>> -> memref<200xi32, #tpu.memory_space<hbm>>
    %dma_wait3A_68 = arith.constant 0 : i32
    %dma_wait3A_69 = tpu.memref_slice %arg2[%dma_wait3A_68] : memref<3276800xi32, #tpu.memory_space<hbm>> -> memref<200xi32, #tpu.memory_space<hbm>>
    tpu.wait_dma2 semaphore(%arg24 : memref<!tpu.dma_semaphore, #tpu.memory_space<semaphore_mem>>) src(%dma_wait3A_69 : memref<200xi32, #tpu.memory_space<hbm>>) dst(%arg7 : memref<200xi32, #tpu.memory_space<vmem>>)
    %dma_start3A_70 = arith.constant 0 : i32
    %dma_start3A_71 = arith.constant 0 : i32
    %dma_start3A_72 = tpu.memref_slice %arg3[%dma_start3A_70, %dma_start3A_71] : memref<1000000x64xf32, #tpu.memory_space<hbm>> -> memref<1000000x64xf32, #tpu.memory_space<hbm>>
    tpu.enqueue_indirect_dma source(%dma_start3A_72 : memref<1000000x64xf32, #tpu.memory_space<hbm>>) target(%arg15 : memref<200x64xf32, #tpu.memory_space<vmem>>) offsets(%arg7 : memref<200xi32, #tpu.memory_space<vmem>>) semaphore(%arg32 : memref<!tpu.dma_semaphore, #tpu.memory_space<semaphore_mem>>)
    %dma_wait3A_73 = arith.constant 0 : i32
    %dma_wait3A_74 = tpu.memref_slice %arg2[%dma_wait3A_73] : memref<3276800xi32, #tpu.memory_space<hbm>> -> memref<200xi32, #tpu.memory_space<hbm>>
    %dma_wait3A_75 = arith.constant 0 : i32
    %dma_wait3A_76 = tpu.memref_slice %arg2[%dma_wait3A_75] : memref<3276800xi32, #tpu.memory_space<hbm>> -> memref<200xi32, #tpu.memory_space<hbm>>
    tpu.wait_dma2 semaphore(%arg25 : memref<!tpu.dma_semaphore, #tpu.memory_space<semaphore_mem>>) src(%dma_wait3A_76 : memref<200xi32, #tpu.memory_space<hbm>>) dst(%arg8 : memref<200xi32, #tpu.memory_space<vmem>>)
    %dma_start3A_77 = arith.constant 0 : i32
    %dma_start3A_78 = arith.constant 0 : i32
    %dma_start3A_79 = tpu.memref_slice %arg3[%dma_start3A_77, %dma_start3A_78] : memref<1000000x64xf32, #tpu.memory_space<hbm>> -> memref<1000000x64xf32, #tpu.memory_space<hbm>>
    tpu.enqueue_indirect_dma source(%dma_start3A_79 : memref<1000000x64xf32, #tpu.memory_space<hbm>>) target(%arg16 : memref<200x64xf32, #tpu.memory_space<vmem>>) offsets(%arg8 : memref<200xi32, #tpu.memory_space<vmem>>) semaphore(%arg33 : memref<!tpu.dma_semaphore, #tpu.memory_space<semaphore_mem>>)
    %dma_wait3A_80 = arith.constant 0 : i32
    %dma_wait3A_81 = tpu.memref_slice %arg2[%dma_wait3A_80] : memref<3276800xi32, #tpu.memory_space<hbm>> -> memref<200xi32, #tpu.memory_space<hbm>>
    %dma_wait3A_82 = arith.constant 0 : i32
    %dma_wait3A_83 = tpu.memref_slice %arg2[%dma_wait3A_82] : memref<3276800xi32, #tpu.memory_space<hbm>> -> memref<200xi32, #tpu.memory_space<hbm>>
    tpu.wait_dma2 semaphore(%arg26 : memref<!tpu.dma_semaphore, #tpu.memory_space<semaphore_mem>>) src(%dma_wait3A_83 : memref<200xi32, #tpu.memory_space<hbm>>) dst(%arg9 : memref<200xi32, #tpu.memory_space<vmem>>)
    %dma_start3A_84 = arith.constant 0 : i32
    %dma_start3A_85 = arith.constant 0 : i32
    %dma_start3A_86 = tpu.memref_slice %arg3[%dma_start3A_84, %dma_start3A_85] : memref<1000000x64xf32, #tpu.memory_space<hbm>> -> memref<1000000x64xf32, #tpu.memory_space<hbm>>
    tpu.enqueue_indirect_dma source(%dma_start3A_86 : memref<1000000x64xf32, #tpu.memory_space<hbm>>) target(%arg17 : memref<200x64xf32, #tpu.memory_space<vmem>>) offsets(%arg9 : memref<200xi32, #tpu.memory_space<vmem>>) semaphore(%arg34 : memref<!tpu.dma_semaphore, #tpu.memory_space<semaphore_mem>>)
    %dma_wait3A_87 = arith.constant 0 : i32
    %dma_wait3A_88 = tpu.memref_slice %arg2[%dma_wait3A_87] : memref<3276800xi32, #tpu.memory_space<hbm>> -> memref<200xi32, #tpu.memory_space<hbm>>
    %dma_wait3A_89 = arith.constant 0 : i32
    %dma_wait3A_90 = tpu.memref_slice %arg2[%dma_wait3A_89] : memref<3276800xi32, #tpu.memory_space<hbm>> -> memref<200xi32, #tpu.memory_space<hbm>>
    tpu.wait_dma2 semaphore(%arg27 : memref<!tpu.dma_semaphore, #tpu.memory_space<semaphore_mem>>) src(%dma_wait3A_90 : memref<200xi32, #tpu.memory_space<hbm>>) dst(%arg10 : memref<200xi32, #tpu.memory_space<vmem>>)
    %dma_start3A_91 = arith.constant 0 : i32
    %dma_start3A_92 = arith.constant 0 : i32
    %dma_start3A_93 = tpu.memref_slice %arg3[%dma_start3A_91, %dma_start3A_92] : memref<1000000x64xf32, #tpu.memory_space<hbm>> -> memref<1000000x64xf32, #tpu.memory_space<hbm>>
    tpu.enqueue_indirect_dma source(%dma_start3A_93 : memref<1000000x64xf32, #tpu.memory_space<hbm>>) target(%arg18 : memref<200x64xf32, #tpu.memory_space<vmem>>) offsets(%arg10 : memref<200xi32, #tpu.memory_space<vmem>>) semaphore(%arg35 : memref<!tpu.dma_semaphore, #tpu.memory_space<semaphore_mem>>)
    %dma_wait3A_94 = arith.constant 0 : i32
    %dma_wait3A_95 = tpu.memref_slice %arg2[%dma_wait3A_94] : memref<3276800xi32, #tpu.memory_space<hbm>> -> memref<200xi32, #tpu.memory_space<hbm>>
    %dma_wait3A_96 = arith.constant 0 : i32
    %dma_wait3A_97 = tpu.memref_slice %arg2[%dma_wait3A_96] : memref<3276800xi32, #tpu.memory_space<hbm>> -> memref<200xi32, #tpu.memory_space<hbm>>
    tpu.wait_dma2 semaphore(%arg28 : memref<!tpu.dma_semaphore, #tpu.memory_space<semaphore_mem>>) src(%dma_wait3A_97 : memref<200xi32, #tpu.memory_space<hbm>>) dst(%arg11 : memref<200xi32, #tpu.memory_space<vmem>>)
    %dma_start3A_98 = arith.constant 0 : i32
    %dma_start3A_99 = arith.constant 0 : i32
    %dma_start3A_100 = tpu.memref_slice %arg3[%dma_start3A_98, %dma_start3A_99] : memref<1000000x64xf32, #tpu.memory_space<hbm>> -> memref<1000000x64xf32, #tpu.memory_space<hbm>>
    tpu.enqueue_indirect_dma source(%dma_start3A_100 : memref<1000000x64xf32, #tpu.memory_space<hbm>>) target(%arg19 : memref<200x64xf32, #tpu.memory_space<vmem>>) offsets(%arg11 : memref<200xi32, #tpu.memory_space<vmem>>) semaphore(%arg36 : memref<!tpu.dma_semaphore, #tpu.memory_space<semaphore_mem>>)
    %dma_wait3A_101 = arith.constant 0 : i32
    %dma_wait3A_102 = tpu.memref_slice %arg2[%dma_wait3A_101] : memref<3276800xi32, #tpu.memory_space<hbm>> -> memref<200xi32, #tpu.memory_space<hbm>>
    %dma_wait3A_103 = arith.constant 0 : i32
    %dma_wait3A_104 = tpu.memref_slice %arg2[%dma_wait3A_103] : memref<3276800xi32, #tpu.memory_space<hbm>> -> memref<200xi32, #tpu.memory_space<hbm>>
    tpu.wait_dma2 semaphore(%arg29 : memref<!tpu.dma_semaphore, #tpu.memory_space<semaphore_mem>>) src(%dma_wait3A_104 : memref<200xi32, #tpu.memory_space<hbm>>) dst(%arg12 : memref<200xi32, #tpu.memory_space<vmem>>)
    %dma_start3A_105 = arith.constant 0 : i32
    %dma_start3A_106 = arith.constant 0 : i32
    %dma_start3A_107 = tpu.memref_slice %arg3[%dma_start3A_105, %dma_start3A_106] : memref<1000000x64xf32, #tpu.memory_space<hbm>> -> memref<1000000x64xf32, #tpu.memory_space<hbm>>
    tpu.enqueue_indirect_dma source(%dma_start3A_107 : memref<1000000x64xf32, #tpu.memory_space<hbm>>) target(%arg20 : memref<200x64xf32, #tpu.memory_space<vmem>>) offsets(%arg12 : memref<200xi32, #tpu.memory_space<vmem>>) semaphore(%arg37 : memref<!tpu.dma_semaphore, #tpu.memory_space<semaphore_mem>>)
    %scan3A = arith.constant 0 : i32
    %scan3A_108 = arith.constant 0 : i32
    %scan3A_109 = arith.constant 64 : i32
    %scan3A_110 = arith.addi %scan3A_108, %scan3A_109 : i32
    %scan3A_111 = arith.constant 1 : i32
    scf.for %scan3A_137 = %scan3A_108 to %scan3A_110 step %scan3A_111  : i32 {
      %mul3A_138 = arith.constant 8 : i32
      %mul3A_139 = arith.muli %scan3A_137, %mul3A_138 : i32
      %add3A_140 = arith.addi %mul3A_2, %mul3A_139 : i32
      %dma_wait3A_141 = arith.constant 0 : i32
      %dma_wait3A_142 = arith.constant 0 : i32
      %dma_wait3A_143 = tpu.memref_slice %arg3[%dma_wait3A_141, %dma_wait3A_142] : memref<1000000x64xf32, #tpu.memory_space<hbm>> -> memref<1000000x64xf32, #tpu.memory_space<hbm>>
      tpu.wait_indirect_dma semaphore(%arg30 : memref<!tpu.dma_semaphore, #tpu.memory_space<semaphore_mem>>) src(%dma_wait3A_143 : memref<1000000x64xf32, #tpu.memory_space<hbm>>) dst(%arg13 : memref<200x64xf32, #tpu.memory_space<vmem>>)
      %add3A_144 = arith.constant 8 : i32
      %add3A_145 = arith.addi %add3A_140, %add3A_144 : i32
      %add3A_146 = arith.constant 0 : i32
      %add3A_147 = arith.addi %add3A_145, %add3A_146 : i32
      %min3A = arith.minsi %add3A_147, %sub3A_5 : i32
      %mul3A_148 = arith.constant 200 : i32
      %mul3A_149 = arith.muli %min3A, %mul3A_148 : i32
      %dma_start3A_150 = tpu.memref_slice %arg2[%mul3A_149] : memref<3276800xi32, #tpu.memory_space<hbm>> -> memref<200xi32, #tpu.memory_space<hbm>>
      %dma_start3A_151 = tpu.memref_slice %arg2[%mul3A_149] : memref<3276800xi32, #tpu.memory_space<hbm>> -> memref<200xi32, #tpu.memory_space<hbm>>
      tpu.enqueue_dma source(%dma_start3A_151 : memref<200xi32, #tpu.memory_space<hbm>>) target(%arg5 : memref<200xi32, #tpu.memory_space<vmem>>) target_semaphore(%arg22 : memref<!tpu.dma_semaphore, #tpu.memory_space<semaphore_mem>>)
      %broadcast_in_dim3A = arith.constant 0.000000e+00 : f32
      %broadcast_in_dim3A_152 = vector.broadcast %broadcast_in_dim3A : f32 to vector<16xf32>
      %broadcast_in_dim3A_153 = arith.constant 0.000000e+00 : f32
      %broadcast_in_dim3A_154 = vector.broadcast %broadcast_in_dim3A_153 : f32 to vector<16xf32>
      %broadcast_in_dim3A_155 = arith.constant 0.000000e+00 : f32
      %broadcast_in_dim3A_156 = vector.broadcast %broadcast_in_dim3A_155 : f32 to vector<16xf32>
      %broadcast_in_dim3A_157 = arith.constant 0.000000e+00 : f32
      %broadcast_in_dim3A_158 = vector.broadcast %broadcast_in_dim3A_157 : f32 to vector<16xf32>
      %broadcast_in_dim3A_159 = arith.constant 0.000000e+00 : f32
      %broadcast_in_dim3A_160 = vector.broadcast %broadcast_in_dim3A_159 : f32 to vector<16xf32>
      %broadcast_in_dim3A_161 = arith.constant 0.000000e+00 : f32
      %broadcast_in_dim3A_162 = vector.broadcast %broadcast_in_dim3A_161 : f32 to vector<16xf32>
      %broadcast_in_dim3A_163 = arith.constant 0.000000e+00 : f32
      %broadcast_in_dim3A_164 = vector.broadcast %broadcast_in_dim3A_163 : f32 to vector<16xf32>
      %broadcast_in_dim3A_165 = arith.constant 0.000000e+00 : f32
      %broadcast_in_dim3A_166 = vector.broadcast %broadcast_in_dim3A_165 : f32 to vector<16xf32>
      %scan3A_167 = arith.constant 0 : i32
      %scan3A_168 = arith.constant 100 : i32
      %scan3A_169 = arith.addi %scan3A_167, %scan3A_168 : i32
      %scan3A_170 = arith.constant 1 : i32
      %scan3A_171:8 = scf.for %scan3A_690 = %scan3A_167 to %scan3A_169 step %scan3A_170 iter_args(%scan3A_691 = %broadcast_in_dim3A_152, %scan3A_692 = %broadcast_in_dim3A_154, %scan3A_693 = %broadcast_in_dim3A_156, %scan3A_694 = %broadcast_in_dim3A_158, %scan3A_695 = %broadcast_in_dim3A_160, %scan3A_696 = %broadcast_in_dim3A_162, %scan3A_697 = %broadcast_in_dim3A_164, %scan3A_698 = %broadcast_in_dim3A_166) -> (vector<16xf32>, vector<16xf32>, vector<16xf32>, vector<16xf32>, vector<16xf32>, vector<16xf32>, vector<16xf32>, vector<16xf32>)  : i32 {
        %mul3A_699 = arith.constant 2 : i32
        %mul3A_700 = arith.muli %mul3A_699, %scan3A_690 : i32
        %get3A = arith.index_cast %mul3A_700 : i32 to index
        %get3A_701 = arith.constant 0 : index
        %get3A_702 = tpu.vector_load %arg13[%get3A, %get3A_701] {strides = array<i32>} : memref<200x64xf32, #tpu.memory_space<vmem>>, vector<1x16xf32>,
        %get3A_703 = vector.shape_cast %get3A_702 : vector<1x16xf32> to vector<16xf32>
        %add3A_704 = arith.addf %scan3A_691, %get3A_703 : vector<16xf32>
        %mul3A_705 = arith.constant 2 : i32
        %mul3A_706 = arith.muli %mul3A_705, %scan3A_690 : i32
        %get3A_707 = arith.index_cast %mul3A_706 : i32 to index
        %get3A_708 = arith.constant 16 : index
        %get3A_709 = tpu.vector_load %arg13[%get3A_707, %get3A_708] {strides = array<i32>} : memref<200x64xf32, #tpu.memory_space<vmem>>, vector<1x16xf32>,
        %get3A_710 = vector.shape_cast %get3A_709 : vector<1x16xf32> to vector<16xf32>
        %add3A_711 = arith.addf %scan3A_692, %get3A_710 : vector<16xf32>
        %mul3A_712 = arith.constant 2 : i32
        %mul3A_713 = arith.muli %mul3A_712, %scan3A_690 : i32
        %get3A_714 = arith.index_cast %mul3A_713 : i32 to index
        %get3A_715 = arith.constant 32 : index
        %get3A_716 = tpu.vector_load %arg13[%get3A_714, %get3A_715] {strides = array<i32>} : memref<200x64xf32, #tpu.memory_space<vmem>>, vector<1x16xf32>,
        %get3A_717 = vector.shape_cast %get3A_716 : vector<1x16xf32> to vector<16xf32>
        %add3A_718 = arith.addf %scan3A_693, %get3A_717 : vector<16xf32>
        %mul3A_719 = arith.constant 2 : i32
        %mul3A_720 = arith.muli %mul3A_719, %scan3A_690 : i32
        %get3A_721 = arith.index_cast %mul3A_720 : i32 to index
        %get3A_722 = arith.constant 48 : index
        %get3A_723 = tpu.vector_load %arg13[%get3A_721, %get3A_722] {strides = array<i32>} : memref<200x64xf32, #tpu.memory_space<vmem>>, vector<1x16xf32>,
        %get3A_724 = vector.shape_cast %get3A_723 : vector<1x16xf32> to vector<16xf32>
        %add3A_725 = arith.addf %scan3A_694, %get3A_724 : vector<16xf32>
        %mul3A_726 = arith.constant 2 : i32
        %mul3A_727 = arith.muli %mul3A_726, %scan3A_690 : i32
        %add3A_728 = arith.constant 1 : i32
        %add3A_729 = arith.addi %mul3A_727, %add3A_728 : i32
        %get3A_730 = arith.index_cast %add3A_729 : i32 to index
        %get3A_731 = arith.constant 0 : index
        %get3A_732 = tpu.vector_load %arg13[%get3A_730, %get3A_731] {strides = array<i32>} : memref<200x64xf32, #tpu.memory_space<vmem>>, vector<1x16xf32>,
        %get3A_733 = vector.shape_cast %get3A_732 : vector<1x16xf32> to vector<16xf32>
        %add3A_734 = arith.addf %scan3A_695, %get3A_733 : vector<16xf32>
        %mul3A_735 = arith.constant 2 : i32
        %mul3A_736 = arith.muli %mul3A_735, %scan3A_690 : i32
        %add3A_737 = arith.constant 1 : i32
        %add3A_738 = arith.addi %mul3A_736, %add3A_737 : i32
        %get3A_739 = arith.index_cast %add3A_738 : i32 to index
        %get3A_740 = arith.constant 16 : index
        %get3A_741 = tpu.vector_load %arg13[%get3A_739, %get3A_740] {strides = array<i32>} : memref<200x64xf32, #tpu.memory_space<vmem>>, vector<1x16xf32>,
        %get3A_742 = vector.shape_cast %get3A_741 : vector<1x16xf32> to vector<16xf32>
        %add3A_743 = arith.addf %scan3A_696, %get3A_742 : vector<16xf32>
        %mul3A_744 = arith.constant 2 : i32
        %mul3A_745 = arith.muli %mul3A_744, %scan3A_690 : i32
        %add3A_746 = arith.constant 1 : i32
        %add3A_747 = arith.addi %mul3A_745, %add3A_746 : i32
        %get3A_748 = arith.index_cast %add3A_747 : i32 to index
        %get3A_749 = arith.constant 32 : index
        %get3A_750 = tpu.vector_load %arg13[%get3A_748, %get3A_749] {strides = array<i32>} : memref<200x64xf32, #tpu.memory_space<vmem>>, vector<1x16xf32>,
        %get3A_751 = vector.shape_cast %get3A_750 : vector<1x16xf32> to vector<16xf32>
        %add3A_752 = arith.addf %scan3A_697, %get3A_751 : vector<16xf32>
        %mul3A_753 = arith.constant 2 : i32
        %mul3A_754 = arith.muli %mul3A_753, %scan3A_690 : i32
        %add3A_755 = arith.constant 1 : i32
        %add3A_756 = arith.addi %mul3A_754, %add3A_755 : i32
        %get3A_757 = arith.index_cast %add3A_756 : i32 to index
        %get3A_758 = arith.constant 48 : index
        %get3A_759 = tpu.vector_load %arg13[%get3A_757, %get3A_758] {strides = array<i32>} : memref<200x64xf32, #tpu.memory_space<vmem>>, vector<1x16xf32>,
        %get3A_760 = vector.shape_cast %get3A_759 : vector<1x16xf32> to vector<16xf32>
        %add3A_761 = arith.addf %scan3A_698, %get3A_760 : vector<16xf32>
        scf.yield %add3A_704, %add3A_711, %add3A_718, %add3A_725, %add3A_734, %add3A_743, %add3A_752, %add3A_761 : vector<16xf32>, vector<16xf32>, vector<16xf32>, vector<16xf32>, vector<16xf32>, vector<16xf32>, vector<16xf32>, vector<16xf32>
      }
      %scan3A_172 = arith.constant 100 : i32
      %add3A_173 = arith.addf %scan3A_171#0, %scan3A_171#4 : vector<16xf32>
      %add3A_174 = arith.addf %scan3A_171#1, %scan3A_171#5 : vector<16xf32>
      %add3A_175 = arith.addf %scan3A_171#2, %scan3A_171#6 : vector<16xf32>
      %add3A_176 = arith.addf %scan3A_171#3, %scan3A_171#7 : vector<16xf32>
      %swap3A = arith.constant 0 : i32
      %swap3A_177 = arith.index_cast %swap3A : i32 to index
      %swap3A_178 = arith.constant 0 : index
      %swap3A_179 = tpu.vector_load %arg21[%swap3A_177, %swap3A_178] {strides = array<i32>} : memref<8x64xf32, #tpu.memory_space<vmem>>, vector<1x16xf32>,
      %swap3A_180 = vector.shape_cast %swap3A_179 : vector<1x16xf32> to vector<16xf32>
      %swap3A_181 = vector.shape_cast %add3A_173 : vector<16xf32> to vector<1x16xf32>
      tpu.vector_store %arg21[%swap3A_177, %swap3A_178], %swap3A_181 {strides = array<i32>} : memref<8x64xf32, #tpu.memory_space<vmem>>, vector<1x16xf32>,
      %swap3A_182 = arith.constant 0 : i32
      %swap3A_183 = arith.index_cast %swap3A_182 : i32 to index
      %swap3A_184 = arith.constant 16 : index
      %swap3A_185 = tpu.vector_load %arg21[%swap3A_183, %swap3A_184] {strides = array<i32>} : memref<8x64xf32, #tpu.memory_space<vmem>>, vector<1x16xf32>,
      %swap3A_186 = vector.shape_cast %swap3A_185 : vector<1x16xf32> to vector<16xf32>
      %swap3A_187 = vector.shape_cast %add3A_174 : vector<16xf32> to vector<1x16xf32>
      tpu.vector_store %arg21[%swap3A_183, %swap3A_184], %swap3A_187 {strides = array<i32>} : memref<8x64xf32, #tpu.memory_space<vmem>>, vector<1x16xf32>,
      %swap3A_188 = arith.constant 0 : i32
      %swap3A_189 = arith.index_cast %swap3A_188 : i32 to index
      %swap3A_190 = arith.constant 32 : index
      %swap3A_191 = tpu.vector_load %arg21[%swap3A_189, %swap3A_190] {strides = array<i32>} : memref<8x64xf32, #tpu.memory_space<vmem>>, vector<1x16xf32>,
      %swap3A_192 = vector.shape_cast %swap3A_191 : vector<1x16xf32> to vector<16xf32>
      %swap3A_193 = vector.shape_cast %add3A_175 : vector<16xf32> to vector<1x16xf32>
      tpu.vector_store %arg21[%swap3A_189, %swap3A_190], %swap3A_193 {strides = array<i32>} : memref<8x64xf32, #tpu.memory_space<vmem>>, vector<1x16xf32>,
      %swap3A_194 = arith.constant 0 : i32
      %swap3A_195 = arith.index_cast %swap3A_194 : i32 to index
      %swap3A_196 = arith.constant 48 : index
      %swap3A_197 = tpu.vector_load %arg21[%swap3A_195, %swap3A_196] {strides = array<i32>} : memref<8x64xf32, #tpu.memory_space<vmem>>, vector<1x16xf32>,
      %swap3A_198 = vector.shape_cast %swap3A_197 : vector<1x16xf32> to vector<16xf32>
      %swap3A_199 = vector.shape_cast %add3A_176 : vector<16xf32> to vector<1x16xf32>
      tpu.vector_store %arg21[%swap3A_195, %swap3A_196], %swap3A_199 {strides = array<i32>} : memref<8x64xf32, #tpu.memory_space<vmem>>, vector<1x16xf32>,
      %dma_wait3A_200 = arith.constant 0 : i32
      %dma_wait3A_201 = tpu.memref_slice %arg2[%dma_wait3A_200] : memref<3276800xi32, #tpu.memory_space<hbm>> -> memref<200xi32, #tpu.memory_space<hbm>>
      %dma_wait3A_202 = arith.constant 0 : i32
      %dma_wait3A_203 = tpu.memref_slice %arg2[%dma_wait3A_202] : memref<3276800xi32, #tpu.memory_space<hbm>> -> memref<200xi32, #tpu.memory_space<hbm>>
      tpu.wait_dma2 semaphore(%arg22 : memref<!tpu.dma_semaphore, #tpu.memory_space<semaphore_mem>>) src(%dma_wait3A_203 : memref<200xi32, #tpu.memory_space<hbm>>) dst(%arg5 : memref<200xi32, #tpu.memory_space<vmem>>)
      %dma_start3A_204 = arith.constant 0 : i32
      %dma_start3A_205 = arith.constant 0 : i32
      %dma_start3A_206 = tpu.memref_slice %arg3[%dma_start3A_204, %dma_start3A_205] : memref<1000000x64xf32, #tpu.memory_space<hbm>> -> memref<1000000x64xf32, #tpu.memory_space<hbm>>
      tpu.enqueue_indirect_dma source(%dma_start3A_206 : memref<1000000x64xf32, #tpu.memory_space<hbm>>) target(%arg13 : memref<200x64xf32, #tpu.memory_space<vmem>>) offsets(%arg5 : memref<200xi32, #tpu.memory_space<vmem>>) semaphore(%arg30 : memref<!tpu.dma_semaphore, #tpu.memory_space<semaphore_mem>>)
      %dma_wait3A_207 = arith.constant 0 : i32
      %dma_wait3A_208 = arith.constant 0 : i32
      %dma_wait3A_209 = tpu.memref_slice %arg3[%dma_wait3A_207, %dma_wait3A_208] : memref<1000000x64xf32, #tpu.memory_space<hbm>> -> memref<1000000x64xf32, #tpu.memory_space<hbm>>
      tpu.wait_indirect_dma semaphore(%arg31 : memref<!tpu.dma_semaphore, #tpu.memory_space<semaphore_mem>>) src(%dma_wait3A_209 : memref<1000000x64xf32, #tpu.memory_space<hbm>>) dst(%arg14 : memref<200x64xf32, #tpu.memory_space<vmem>>)
      %add3A_210 = arith.constant 8 : i32
      %add3A_211 = arith.addi %add3A_140, %add3A_210 : i32
      %add3A_212 = arith.constant 1 : i32
      %add3A_213 = arith.addi %add3A_211, %add3A_212 : i32
      %min3A_214 = arith.minsi %add3A_213, %sub3A_5 : i32
      %mul3A_215 = arith.constant 200 : i32
      %mul3A_216 = arith.muli %min3A_214, %mul3A_215 : i32
      %dma_start3A_217 = tpu.memref_slice %arg2[%mul3A_216] : memref<3276800xi32, #tpu.memory_space<hbm>> -> memref<200xi32, #tpu.memory_space<hbm>>
      %dma_start3A_218 = tpu.memref_slice %arg2[%mul3A_216] : memref<3276800xi32, #tpu.memory_space<hbm>> -> memref<200xi32, #tpu.memory_space<hbm>>
      tpu.enqueue_dma source(%dma_start3A_218 : memref<200xi32, #tpu.memory_space<hbm>>) target(%arg6 : memref<200xi32, #tpu.memory_space<vmem>>) target_semaphore(%arg23 : memref<!tpu.dma_semaphore, #tpu.memory_space<semaphore_mem>>)
      %broadcast_in_dim3A_219 = arith.constant 0.000000e+00 : f32
      %broadcast_in_dim3A_220 = vector.broadcast %broadcast_in_dim3A_219 : f32 to vector<16xf32>
      %broadcast_in_dim3A_221 = arith.constant 0.000000e+00 : f32
      %broadcast_in_dim3A_222 = vector.broadcast %broadcast_in_dim3A_221 : f32 to vector<16xf32>
      %broadcast_in_dim3A_223 = arith.constant 0.000000e+00 : f32
      %broadcast_in_dim3A_224 = vector.broadcast %broadcast_in_dim3A_223 : f32 to vector<16xf32>
      %broadcast_in_dim3A_225 = arith.constant 0.000000e+00 : f32
      %broadcast_in_dim3A_226 = vector.broadcast %broadcast_in_dim3A_225 : f32 to vector<16xf32>
      %broadcast_in_dim3A_227 = arith.constant 0.000000e+00 : f32
      %broadcast_in_dim3A_228 = vector.broadcast %broadcast_in_dim3A_227 : f32 to vector<16xf32>
      %broadcast_in_dim3A_229 = arith.constant 0.000000e+00 : f32
      %broadcast_in_dim3A_230 = vector.broadcast %broadcast_in_dim3A_229 : f32 to vector<16xf32>
      %broadcast_in_dim3A_231 = arith.constant 0.000000e+00 : f32
      %broadcast_in_dim3A_232 = vector.broadcast %broadcast_in_dim3A_231 : f32 to vector<16xf32>
      %broadcast_in_dim3A_233 = arith.constant 0.000000e+00 : f32
      %broadcast_in_dim3A_234 = vector.broadcast %broadcast_in_dim3A_233 : f32 to vector<16xf32>
      %scan3A_235 = arith.constant 0 : i32
      %scan3A_236 = arith.constant 100 : i32
      %scan3A_237 = arith.addi %scan3A_235, %scan3A_236 : i32
      %scan3A_238 = arith.constant 1 : i32
      %scan3A_239:8 = scf.for %scan3A_690 = %scan3A_235 to %scan3A_237 step %scan3A_238 iter_args(%scan3A_691 = %broadcast_in_dim3A_220, %scan3A_692 = %broadcast_in_dim3A_222, %scan3A_693 = %broadcast_in_dim3A_224, %scan3A_694 = %broadcast_in_dim3A_226, %scan3A_695 = %broadcast_in_dim3A_228, %scan3A_696 = %broadcast_in_dim3A_230, %scan3A_697 = %broadcast_in_dim3A_232, %scan3A_698 = %broadcast_in_dim3A_234) -> (vector<16xf32>, vector<16xf32>, vector<16xf32>, vector<16xf32>, vector<16xf32>, vector<16xf32>, vector<16xf32>, vector<16xf32>)  : i32 {
        %mul3A_699 = arith.constant 2 : i32
        %mul3A_700 = arith.muli %mul3A_699, %scan3A_690 : i32
        %get3A = arith.index_cast %mul3A_700 : i32 to index
        %get3A_701 = arith.constant 0 : index
        %get3A_702 = tpu.vector_load %arg14[%get3A, %get3A_701] {strides = array<i32>} : memref<200x64xf32, #tpu.memory_space<vmem>>, vector<1x16xf32>,
        %get3A_703 = vector.shape_cast %get3A_702 : vector<1x16xf32> to vector<16xf32>
        %add3A_704 = arith.addf %scan3A_691, %get3A_703 : vector<16xf32>
        %mul3A_705 = arith.constant 2 : i32
        %mul3A_706 = arith.muli %mul3A_705, %scan3A_690 : i32
        %get3A_707 = arith.index_cast %mul3A_706 : i32 to index
        %get3A_708 = arith.constant 16 : index
        %get3A_709 = tpu.vector_load %arg14[%get3A_707, %get3A_708] {strides = array<i32>} : memref<200x64xf32, #tpu.memory_space<vmem>>, vector<1x16xf32>,
        %get3A_710 = vector.shape_cast %get3A_709 : vector<1x16xf32> to vector<16xf32>
        %add3A_711 = arith.addf %scan3A_692, %get3A_710 : vector<16xf32>
        %mul3A_712 = arith.constant 2 : i32
        %mul3A_713 = arith.muli %mul3A_712, %scan3A_690 : i32
        %get3A_714 = arith.index_cast %mul3A_713 : i32 to index
        %get3A_715 = arith.constant 32 : index
        %get3A_716 = tpu.vector_load %arg14[%get3A_714, %get3A_715] {strides = array<i32>} : memref<200x64xf32, #tpu.memory_space<vmem>>, vector<1x16xf32>,
        %get3A_717 = vector.shape_cast %get3A_716 : vector<1x16xf32> to vector<16xf32>
        %add3A_718 = arith.addf %scan3A_693, %get3A_717 : vector<16xf32>
        %mul3A_719 = arith.constant 2 : i32
        %mul3A_720 = arith.muli %mul3A_719, %scan3A_690 : i32
        %get3A_721 = arith.index_cast %mul3A_720 : i32 to index
        %get3A_722 = arith.constant 48 : index
        %get3A_723 = tpu.vector_load %arg14[%get3A_721, %get3A_722] {strides = array<i32>} : memref<200x64xf32, #tpu.memory_space<vmem>>, vector<1x16xf32>,
        %get3A_724 = vector.shape_cast %get3A_723 : vector<1x16xf32> to vector<16xf32>
        %add3A_725 = arith.addf %scan3A_694, %get3A_724 : vector<16xf32>
        %mul3A_726 = arith.constant 2 : i32
        %mul3A_727 = arith.muli %mul3A_726, %scan3A_690 : i32
        %add3A_728 = arith.constant 1 : i32
        %add3A_729 = arith.addi %mul3A_727, %add3A_728 : i32
        %get3A_730 = arith.index_cast %add3A_729 : i32 to index
        %get3A_731 = arith.constant 0 : index
        %get3A_732 = tpu.vector_load %arg14[%get3A_730, %get3A_731] {strides = array<i32>} : memref<200x64xf32, #tpu.memory_space<vmem>>, vector<1x16xf32>,
        %get3A_733 = vector.shape_cast %get3A_732 : vector<1x16xf32> to vector<16xf32>
        %add3A_734 = arith.addf %scan3A_695, %get3A_733 : vector<16xf32>
        %mul3A_735 = arith.constant 2 : i32
        %mul3A_736 = arith.muli %mul3A_735, %scan3A_690 : i32
        %add3A_737 = arith.constant 1 : i32
        %add3A_738 = arith.addi %mul3A_736, %add3A_737 : i32
        %get3A_739 = arith.index_cast %add3A_738 : i32 to index
        %get3A_740 = arith.constant 16 : index
        %get3A_741 = tpu.vector_load %arg14[%get3A_739, %get3A_740] {strides = array<i32>} : memref<200x64xf32, #tpu.memory_space<vmem>>, vector<1x16xf32>,
        %get3A_742 = vector.shape_cast %get3A_741 : vector<1x16xf32> to vector<16xf32>
        %add3A_743 = arith.addf %scan3A_696, %get3A_742 : vector<16xf32>
        %mul3A_744 = arith.constant 2 : i32
        %mul3A_745 = arith.muli %mul3A_744, %scan3A_690 : i32
        %add3A_746 = arith.constant 1 : i32
        %add3A_747 = arith.addi %mul3A_745, %add3A_746 : i32
        %get3A_748 = arith.index_cast %add3A_747 : i32 to index
        %get3A_749 = arith.constant 32 : index
        %get3A_750 = tpu.vector_load %arg14[%get3A_748, %get3A_749] {strides = array<i32>} : memref<200x64xf32, #tpu.memory_space<vmem>>, vector<1x16xf32>,
        %get3A_751 = vector.shape_cast %get3A_750 : vector<1x16xf32> to vector<16xf32>
        %add3A_752 = arith.addf %scan3A_697, %get3A_751 : vector<16xf32>
        %mul3A_753 = arith.constant 2 : i32
        %mul3A_754 = arith.muli %mul3A_753, %scan3A_690 : i32
        %add3A_755 = arith.constant 1 : i32
        %add3A_756 = arith.addi %mul3A_754, %add3A_755 : i32
        %get3A_757 = arith.index_cast %add3A_756 : i32 to index
        %get3A_758 = arith.constant 48 : index
        %get3A_759 = tpu.vector_load %arg14[%get3A_757, %get3A_758] {strides = array<i32>} : memref<200x64xf32, #tpu.memory_space<vmem>>, vector<1x16xf32>,
        %get3A_760 = vector.shape_cast %get3A_759 : vector<1x16xf32> to vector<16xf32>
        %add3A_761 = arith.addf %scan3A_698, %get3A_760 : vector<16xf32>
        scf.yield %add3A_704, %add3A_711, %add3A_718, %add3A_725, %add3A_734, %add3A_743, %add3A_752, %add3A_761 : vector<16xf32>, vector<16xf32>, vector<16xf32>, vector<16xf32>, vector<16xf32>, vector<16xf32>, vector<16xf32>, vector<16xf32>
      }
      %scan3A_240 = arith.constant 100 : i32
      %add3A_241 = arith.addf %scan3A_239#0, %scan3A_239#4 : vector<16xf32>
      %add3A_242 = arith.addf %scan3A_239#1, %scan3A_239#5 : vector<16xf32>
      %add3A_243 = arith.addf %scan3A_239#2, %scan3A_239#6 : vector<16xf32>
      %add3A_244 = arith.addf %scan3A_239#3, %scan3A_239#7 : vector<16xf32>
      %swap3A_245 = arith.constant 1 : i32
      %swap3A_246 = arith.index_cast %swap3A_245 : i32 to index
      %swap3A_247 = arith.constant 0 : index
      %swap3A_248 = tpu.vector_load %arg21[%swap3A_246, %swap3A_247] {strides = array<i32>} : memref<8x64xf32, #tpu.memory_space<vmem>>, vector<1x16xf32>,
      %swap3A_249 = vector.shape_cast %swap3A_248 : vector<1x16xf32> to vector<16xf32>
      %swap3A_250 = vector.shape_cast %add3A_241 : vector<16xf32> to vector<1x16xf32>
      tpu.vector_store %arg21[%swap3A_246, %swap3A_247], %swap3A_250 {strides = array<i32>} : memref<8x64xf32, #tpu.memory_space<vmem>>, vector<1x16xf32>,
      %swap3A_251 = arith.constant 1 : i32
      %swap3A_252 = arith.index_cast %swap3A_251 : i32 to index
      %swap3A_253 = arith.constant 16 : index
      %swap3A_254 = tpu.vector_load %arg21[%swap3A_252, %swap3A_253] {strides = array<i32>} : memref<8x64xf32, #tpu.memory_space<vmem>>, vector<1x16xf32>,
      %swap3A_255 = vector.shape_cast %swap3A_254 : vector<1x16xf32> to vector<16xf32>
      %swap3A_256 = vector.shape_cast %add3A_242 : vector<16xf32> to vector<1x16xf32>
      tpu.vector_store %arg21[%swap3A_252, %swap3A_253], %swap3A_256 {strides = array<i32>} : memref<8x64xf32, #tpu.memory_space<vmem>>, vector<1x16xf32>,
      %swap3A_257 = arith.constant 1 : i32
      %swap3A_258 = arith.index_cast %swap3A_257 : i32 to index
      %swap3A_259 = arith.constant 32 : index
      %swap3A_260 = tpu.vector_load %arg21[%swap3A_258, %swap3A_259] {strides = array<i32>} : memref<8x64xf32, #tpu.memory_space<vmem>>, vector<1x16xf32>,
      %swap3A_261 = vector.shape_cast %swap3A_260 : vector<1x16xf32> to vector<16xf32>
      %swap3A_262 = vector.shape_cast %add3A_243 : vector<16xf32> to vector<1x16xf32>
      tpu.vector_store %arg21[%swap3A_258, %swap3A_259], %swap3A_262 {strides = array<i32>} : memref<8x64xf32, #tpu.memory_space<vmem>>, vector<1x16xf32>,
      %swap3A_263 = arith.constant 1 : i32
      %swap3A_264 = arith.index_cast %swap3A_263 : i32 to index
      %swap3A_265 = arith.constant 48 : index
      %swap3A_266 = tpu.vector_load %arg21[%swap3A_264, %swap3A_265] {strides = array<i32>} : memref<8x64xf32, #tpu.memory_space<vmem>>, vector<1x16xf32>,
      %swap3A_267 = vector.shape_cast %swap3A_266 : vector<1x16xf32> to vector<16xf32>
      %swap3A_268 = vector.shape_cast %add3A_244 : vector<16xf32> to vector<1x16xf32>
      tpu.vector_store %arg21[%swap3A_264, %swap3A_265], %swap3A_268 {strides = array<i32>} : memref<8x64xf32, #tpu.memory_space<vmem>>, vector<1x16xf32>,
      %dma_wait3A_269 = arith.constant 0 : i32
      %dma_wait3A_270 = tpu.memref_slice %arg2[%dma_wait3A_269] : memref<3276800xi32, #tpu.memory_space<hbm>> -> memref<200xi32, #tpu.memory_space<hbm>>
      %dma_wait3A_271 = arith.constant 0 : i32
      %dma_wait3A_272 = tpu.memref_slice %arg2[%dma_wait3A_271] : memref<3276800xi32, #tpu.memory_space<hbm>> -> memref<200xi32, #tpu.memory_space<hbm>>
      tpu.wait_dma2 semaphore(%arg23 : memref<!tpu.dma_semaphore, #tpu.memory_space<semaphore_mem>>) src(%dma_wait3A_272 : memref<200xi32, #tpu.memory_space<hbm>>) dst(%arg6 : memref<200xi32, #tpu.memory_space<vmem>>)
      %dma_start3A_273 = arith.constant 0 : i32
      %dma_start3A_274 = arith.constant 0 : i32
      %dma_start3A_275 = tpu.memref_slice %arg3[%dma_start3A_273, %dma_start3A_274] : memref<1000000x64xf32, #tpu.memory_space<hbm>> -> memref<1000000x64xf32, #tpu.memory_space<hbm>>
      tpu.enqueue_indirect_dma source(%dma_start3A_275 : memref<1000000x64xf32, #tpu.memory_space<hbm>>) target(%arg14 : memref<200x64xf32, #tpu.memory_space<vmem>>) offsets(%arg6 : memref<200xi32, #tpu.memory_space<vmem>>) semaphore(%arg31 : memref<!tpu.dma_semaphore, #tpu.memory_space<semaphore_mem>>)
      %dma_wait3A_276 = arith.constant 0 : i32
      %dma_wait3A_277 = arith.constant 0 : i32
      %dma_wait3A_278 = tpu.memref_slice %arg3[%dma_wait3A_276, %dma_wait3A_277] : memref<1000000x64xf32, #tpu.memory_space<hbm>> -> memref<1000000x64xf32, #tpu.memory_space<hbm>>
      tpu.wait_indirect_dma semaphore(%arg32 : memref<!tpu.dma_semaphore, #tpu.memory_space<semaphore_mem>>) src(%dma_wait3A_278 : memref<1000000x64xf32, #tpu.memory_space<hbm>>) dst(%arg15 : memref<200x64xf32, #tpu.memory_space<vmem>>)
      %add3A_279 = arith.constant 8 : i32
      %add3A_280 = arith.addi %add3A_140, %add3A_279 : i32
      %add3A_281 = arith.constant 2 : i32
      %add3A_282 = arith.addi %add3A_280, %add3A_281 : i32
      %min3A_283 = arith.minsi %add3A_282, %sub3A_5 : i32
      %mul3A_284 = arith.constant 200 : i32
      %mul3A_285 = arith.muli %min3A_283, %mul3A_284 : i32
      %dma_start3A_286 = tpu.memref_slice %arg2[%mul3A_285] : memref<3276800xi32, #tpu.memory_space<hbm>> -> memref<200xi32, #tpu.memory_space<hbm>>
      %dma_start3A_287 = tpu.memref_slice %arg2[%mul3A_285] : memref<3276800xi32, #tpu.memory_space<hbm>> -> memref<200xi32, #tpu.memory_space<hbm>>
      tpu.enqueue_dma source(%dma_start3A_287 : memref<200xi32, #tpu.memory_space<hbm>>) target(%arg7 : memref<200xi32, #tpu.memory_space<vmem>>) target_semaphore(%arg24 : memref<!tpu.dma_semaphore, #tpu.memory_space<semaphore_mem>>)
      %broadcast_in_dim3A_288 = arith.constant 0.000000e+00 : f32
      %broadcast_in_dim3A_289 = vector.broadcast %broadcast_in_dim3A_288 : f32 to vector<16xf32>
      %broadcast_in_dim3A_290 = arith.constant 0.000000e+00 : f32
      %broadcast_in_dim3A_291 = vector.broadcast %broadcast_in_dim3A_290 : f32 to vector<16xf32>
      %broadcast_in_dim3A_292 = arith.constant 0.000000e+00 : f32
      %broadcast_in_dim3A_293 = vector.broadcast %broadcast_in_dim3A_292 : f32 to vector<16xf32>
      %broadcast_in_dim3A_294 = arith.constant 0.000000e+00 : f32
      %broadcast_in_dim3A_295 = vector.broadcast %broadcast_in_dim3A_294 : f32 to vector<16xf32>
      %broadcast_in_dim3A_296 = arith.constant 0.000000e+00 : f32
      %broadcast_in_dim3A_297 = vector.broadcast %broadcast_in_dim3A_296 : f32 to vector<16xf32>
      %broadcast_in_dim3A_298 = arith.constant 0.000000e+00 : f32
      %broadcast_in_dim3A_299 = vector.broadcast %broadcast_in_dim3A_298 : f32 to vector<16xf32>
      %broadcast_in_dim3A_300 = arith.constant 0.000000e+00 : f32
      %broadcast_in_dim3A_301 = vector.broadcast %broadcast_in_dim3A_300 : f32 to vector<16xf32>
      %broadcast_in_dim3A_302 = arith.constant 0.000000e+00 : f32
      %broadcast_in_dim3A_303 = vector.broadcast %broadcast_in_dim3A_302 : f32 to vector<16xf32>
      %scan3A_304 = arith.constant 0 : i32
      %scan3A_305 = arith.constant 100 : i32
      %scan3A_306 = arith.addi %scan3A_304, %scan3A_305 : i32
      %scan3A_307 = arith.constant 1 : i32
      %scan3A_308:8 = scf.for %scan3A_690 = %scan3A_304 to %scan3A_306 step %scan3A_307 iter_args(%scan3A_691 = %broadcast_in_dim3A_289, %scan3A_692 = %broadcast_in_dim3A_291, %scan3A_693 = %broadcast_in_dim3A_293, %scan3A_694 = %broadcast_in_dim3A_295, %scan3A_695 = %broadcast_in_dim3A_297, %scan3A_696 = %broadcast_in_dim3A_299, %scan3A_697 = %broadcast_in_dim3A_301, %scan3A_698 = %broadcast_in_dim3A_303) -> (vector<16xf32>, vector<16xf32>, vector<16xf32>, vector<16xf32>, vector<16xf32>, vector<16xf32>, vector<16xf32>, vector<16xf32>)  : i32 {
        %mul3A_699 = arith.constant 2 : i32
        %mul3A_700 = arith.muli %mul3A_699, %scan3A_690 : i32
        %get3A = arith.index_cast %mul3A_700 : i32 to index
        %get3A_701 = arith.constant 0 : index
        %get3A_702 = tpu.vector_load %arg15[%get3A, %get3A_701] {strides = array<i32>} : memref<200x64xf32, #tpu.memory_space<vmem>>, vector<1x16xf32>,
        %get3A_703 = vector.shape_cast %get3A_702 : vector<1x16xf32> to vector<16xf32>
        %add3A_704 = arith.addf %scan3A_691, %get3A_703 : vector<16xf32>
        %mul3A_705 = arith.constant 2 : i32
        %mul3A_706 = arith.muli %mul3A_705, %scan3A_690 : i32
        %get3A_707 = arith.index_cast %mul3A_706 : i32 to index
        %get3A_708 = arith.constant 16 : index
        %get3A_709 = tpu.vector_load %arg15[%get3A_707, %get3A_708] {strides = array<i32>} : memref<200x64xf32, #tpu.memory_space<vmem>>, vector<1x16xf32>,
        %get3A_710 = vector.shape_cast %get3A_709 : vector<1x16xf32> to vector<16xf32>
        %add3A_711 = arith.addf %scan3A_692, %get3A_710 : vector<16xf32>
        %mul3A_712 = arith.constant 2 : i32
        %mul3A_713 = arith.muli %mul3A_712, %scan3A_690 : i32
        %get3A_714 = arith.index_cast %mul3A_713 : i32 to index
        %get3A_715 = arith.constant 32 : index
        %get3A_716 = tpu.vector_load %arg15[%get3A_714, %get3A_715] {strides = array<i32>} : memref<200x64xf32, #tpu.memory_space<vmem>>, vector<1x16xf32>,
        %get3A_717 = vector.shape_cast %get3A_716 : vector<1x16xf32> to vector<16xf32>
        %add3A_718 = arith.addf %scan3A_693, %get3A_717 : vector<16xf32>
        %mul3A_719 = arith.constant 2 : i32
        %mul3A_720 = arith.muli %mul3A_719, %scan3A_690 : i32
        %get3A_721 = arith.index_cast %mul3A_720 : i32 to index
        %get3A_722 = arith.constant 48 : index
        %get3A_723 = tpu.vector_load %arg15[%get3A_721, %get3A_722] {strides = array<i32>} : memref<200x64xf32, #tpu.memory_space<vmem>>, vector<1x16xf32>,
        %get3A_724 = vector.shape_cast %get3A_723 : vector<1x16xf32> to vector<16xf32>
        %add3A_725 = arith.addf %scan3A_694, %get3A_724 : vector<16xf32>
        %mul3A_726 = arith.constant 2 : i32
        %mul3A_727 = arith.muli %mul3A_726, %scan3A_690 : i32
        %add3A_728 = arith.constant 1 : i32
        %add3A_729 = arith.addi %mul3A_727, %add3A_728 : i32
        %get3A_730 = arith.index_cast %add3A_729 : i32 to index
        %get3A_731 = arith.constant 0 : index
        %get3A_732 = tpu.vector_load %arg15[%get3A_730, %get3A_731] {strides = array<i32>} : memref<200x64xf32, #tpu.memory_space<vmem>>, vector<1x16xf32>,
        %get3A_733 = vector.shape_cast %get3A_732 : vector<1x16xf32> to vector<16xf32>
        %add3A_734 = arith.addf %scan3A_695, %get3A_733 : vector<16xf32>
        %mul3A_735 = arith.constant 2 : i32
        %mul3A_736 = arith.muli %mul3A_735, %scan3A_690 : i32
        %add3A_737 = arith.constant 1 : i32
        %add3A_738 = arith.addi %mul3A_736, %add3A_737 : i32
        %get3A_739 = arith.index_cast %add3A_738 : i32 to index
        %get3A_740 = arith.constant 16 : index
        %get3A_741 = tpu.vector_load %arg15[%get3A_739, %get3A_740] {strides = array<i32>} : memref<200x64xf32, #tpu.memory_space<vmem>>, vector<1x16xf32>,
        %get3A_742 = vector.shape_cast %get3A_741 : vector<1x16xf32> to vector<16xf32>
        %add3A_743 = arith.addf %scan3A_696, %get3A_742 : vector<16xf32>
        %mul3A_744 = arith.constant 2 : i32
        %mul3A_745 = arith.muli %mul3A_744, %scan3A_690 : i32
        %add3A_746 = arith.constant 1 : i32
        %add3A_747 = arith.addi %mul3A_745, %add3A_746 : i32
        %get3A_748 = arith.index_cast %add3A_747 : i32 to index
        %get3A_749 = arith.constant 32 : index
        %get3A_750 = tpu.vector_load %arg15[%get3A_748, %get3A_749] {strides = array<i32>} : memref<200x64xf32, #tpu.memory_space<vmem>>, vector<1x16xf32>,
        %get3A_751 = vector.shape_cast %get3A_750 : vector<1x16xf32> to vector<16xf32>
        %add3A_752 = arith.addf %scan3A_697, %get3A_751 : vector<16xf32>
        %mul3A_753 = arith.constant 2 : i32
        %mul3A_754 = arith.muli %mul3A_753, %scan3A_690 : i32
        %add3A_755 = arith.constant 1 : i32
        %add3A_756 = arith.addi %mul3A_754, %add3A_755 : i32
        %get3A_757 = arith.index_cast %add3A_756 : i32 to index
        %get3A_758 = arith.constant 48 : index
        %get3A_759 = tpu.vector_load %arg15[%get3A_757, %get3A_758] {strides = array<i32>} : memref<200x64xf32, #tpu.memory_space<vmem>>, vector<1x16xf32>,
        %get3A_760 = vector.shape_cast %get3A_759 : vector<1x16xf32> to vector<16xf32>
        %add3A_761 = arith.addf %scan3A_698, %get3A_760 : vector<16xf32>
        scf.yield %add3A_704, %add3A_711, %add3A_718, %add3A_725, %add3A_734, %add3A_743, %add3A_752, %add3A_761 : vector<16xf32>, vector<16xf32>, vector<16xf32>, vector<16xf32>, vector<16xf32>, vector<16xf32>, vector<16xf32>, vector<16xf32>
      }
      %scan3A_309 = arith.constant 100 : i32
      %add3A_310 = arith.addf %scan3A_308#0, %scan3A_308#4 : vector<16xf32>
      %add3A_311 = arith.addf %scan3A_308#1, %scan3A_308#5 : vector<16xf32>
      %add3A_312 = arith.addf %scan3A_308#2, %scan3A_308#6 : vector<16xf32>
      %add3A_313 = arith.addf %scan3A_308#3, %scan3A_308#7 : vector<16xf32>
      %swap3A_314 = arith.constant 2 : i32
      %swap3A_315 = arith.index_cast %swap3A_314 : i32 to index
      %swap3A_316 = arith.constant 0 : index
      %swap3A_317 = tpu.vector_load %arg21[%swap3A_315, %swap3A_316] {strides = array<i32>} : memref<8x64xf32, #tpu.memory_space<vmem>>, vector<1x16xf32>,
      %swap3A_318 = vector.shape_cast %swap3A_317 : vector<1x16xf32> to vector<16xf32>
      %swap3A_319 = vector.shape_cast %add3A_310 : vector<16xf32> to vector<1x16xf32>
      tpu.vector_store %arg21[%swap3A_315, %swap3A_316], %swap3A_319 {strides = array<i32>} : memref<8x64xf32, #tpu.memory_space<vmem>>, vector<1x16xf32>,
      %swap3A_320 = arith.constant 2 : i32
      %swap3A_321 = arith.index_cast %swap3A_320 : i32 to index
      %swap3A_322 = arith.constant 16 : index
      %swap3A_323 = tpu.vector_load %arg21[%swap3A_321, %swap3A_322] {strides = array<i32>} : memref<8x64xf32, #tpu.memory_space<vmem>>, vector<1x16xf32>,
      %swap3A_324 = vector.shape_cast %swap3A_323 : vector<1x16xf32> to vector<16xf32>
      %swap3A_325 = vector.shape_cast %add3A_311 : vector<16xf32> to vector<1x16xf32>
      tpu.vector_store %arg21[%swap3A_321, %swap3A_322], %swap3A_325 {strides = array<i32>} : memref<8x64xf32, #tpu.memory_space<vmem>>, vector<1x16xf32>,
      %swap3A_326 = arith.constant 2 : i32
      %swap3A_327 = arith.index_cast %swap3A_326 : i32 to index
      %swap3A_328 = arith.constant 32 : index
      %swap3A_329 = tpu.vector_load %arg21[%swap3A_327, %swap3A_328] {strides = array<i32>} : memref<8x64xf32, #tpu.memory_space<vmem>>, vector<1x16xf32>,
      %swap3A_330 = vector.shape_cast %swap3A_329 : vector<1x16xf32> to vector<16xf32>
      %swap3A_331 = vector.shape_cast %add3A_312 : vector<16xf32> to vector<1x16xf32>
      tpu.vector_store %arg21[%swap3A_327, %swap3A_328], %swap3A_331 {strides = array<i32>} : memref<8x64xf32, #tpu.memory_space<vmem>>, vector<1x16xf32>,
      %swap3A_332 = arith.constant 2 : i32
      %swap3A_333 = arith.index_cast %swap3A_332 : i32 to index
      %swap3A_334 = arith.constant 48 : index
      %swap3A_335 = tpu.vector_load %arg21[%swap3A_333, %swap3A_334] {strides = array<i32>} : memref<8x64xf32, #tpu.memory_space<vmem>>, vector<1x16xf32>,
      %swap3A_336 = vector.shape_cast %swap3A_335 : vector<1x16xf32> to vector<16xf32>
      %swap3A_337 = vector.shape_cast %add3A_313 : vector<16xf32> to vector<1x16xf32>
      tpu.vector_store %arg21[%swap3A_333, %swap3A_334], %swap3A_337 {strides = array<i32>} : memref<8x64xf32, #tpu.memory_space<vmem>>, vector<1x16xf32>,
      %dma_wait3A_338 = arith.constant 0 : i32
      %dma_wait3A_339 = tpu.memref_slice %arg2[%dma_wait3A_338] : memref<3276800xi32, #tpu.memory_space<hbm>> -> memref<200xi32, #tpu.memory_space<hbm>>
      %dma_wait3A_340 = arith.constant 0 : i32
      %dma_wait3A_341 = tpu.memref_slice %arg2[%dma_wait3A_340] : memref<3276800xi32, #tpu.memory_space<hbm>> -> memref<200xi32, #tpu.memory_space<hbm>>
      tpu.wait_dma2 semaphore(%arg24 : memref<!tpu.dma_semaphore, #tpu.memory_space<semaphore_mem>>) src(%dma_wait3A_341 : memref<200xi32, #tpu.memory_space<hbm>>) dst(%arg7 : memref<200xi32, #tpu.memory_space<vmem>>)
      %dma_start3A_342 = arith.constant 0 : i32
      %dma_start3A_343 = arith.constant 0 : i32
      %dma_start3A_344 = tpu.memref_slice %arg3[%dma_start3A_342, %dma_start3A_343] : memref<1000000x64xf32, #tpu.memory_space<hbm>> -> memref<1000000x64xf32, #tpu.memory_space<hbm>>
      tpu.enqueue_indirect_dma source(%dma_start3A_344 : memref<1000000x64xf32, #tpu.memory_space<hbm>>) target(%arg15 : memref<200x64xf32, #tpu.memory_space<vmem>>) offsets(%arg7 : memref<200xi32, #tpu.memory_space<vmem>>) semaphore(%arg32 : memref<!tpu.dma_semaphore, #tpu.memory_space<semaphore_mem>>)
      %dma_wait3A_345 = arith.constant 0 : i32
      %dma_wait3A_346 = arith.constant 0 : i32
      %dma_wait3A_347 = tpu.memref_slice %arg3[%dma_wait3A_345, %dma_wait3A_346] : memref<1000000x64xf32, #tpu.memory_space<hbm>> -> memref<1000000x64xf32, #tpu.memory_space<hbm>>
      tpu.wait_indirect_dma semaphore(%arg33 : memref<!tpu.dma_semaphore, #tpu.memory_space<semaphore_mem>>) src(%dma_wait3A_347 : memref<1000000x64xf32, #tpu.memory_space<hbm>>) dst(%arg16 : memref<200x64xf32, #tpu.memory_space<vmem>>)
      %add3A_348 = arith.constant 8 : i32
      %add3A_349 = arith.addi %add3A_140, %add3A_348 : i32
      %add3A_350 = arith.constant 3 : i32
      %add3A_351 = arith.addi %add3A_349, %add3A_350 : i32
      %min3A_352 = arith.minsi %add3A_351, %sub3A_5 : i32
      %mul3A_353 = arith.constant 200 : i32
      %mul3A_354 = arith.muli %min3A_352, %mul3A_353 : i32
      %dma_start3A_355 = tpu.memref_slice %arg2[%mul3A_354] : memref<3276800xi32, #tpu.memory_space<hbm>> -> memref<200xi32, #tpu.memory_space<hbm>>
      %dma_start3A_356 = tpu.memref_slice %arg2[%mul3A_354] : memref<3276800xi32, #tpu.memory_space<hbm>> -> memref<200xi32, #tpu.memory_space<hbm>>
      tpu.enqueue_dma source(%dma_start3A_356 : memref<200xi32, #tpu.memory_space<hbm>>) target(%arg8 : memref<200xi32, #tpu.memory_space<vmem>>) target_semaphore(%arg25 : memref<!tpu.dma_semaphore, #tpu.memory_space<semaphore_mem>>)
      %broadcast_in_dim3A_357 = arith.constant 0.000000e+00 : f32
      %broadcast_in_dim3A_358 = vector.broadcast %broadcast_in_dim3A_357 : f32 to vector<16xf32>
      %broadcast_in_dim3A_359 = arith.constant 0.000000e+00 : f32
      %broadcast_in_dim3A_360 = vector.broadcast %broadcast_in_dim3A_359 : f32 to vector<16xf32>
      %broadcast_in_dim3A_361 = arith.constant 0.000000e+00 : f32
      %broadcast_in_dim3A_362 = vector.broadcast %broadcast_in_dim3A_361 : f32 to vector<16xf32>
      %broadcast_in_dim3A_363 = arith.constant 0.000000e+00 : f32
      %broadcast_in_dim3A_364 = vector.broadcast %broadcast_in_dim3A_363 : f32 to vector<16xf32>
      %broadcast_in_dim3A_365 = arith.constant 0.000000e+00 : f32
      %broadcast_in_dim3A_366 = vector.broadcast %broadcast_in_dim3A_365 : f32 to vector<16xf32>
      %broadcast_in_dim3A_367 = arith.constant 0.000000e+00 : f32
      %broadcast_in_dim3A_368 = vector.broadcast %broadcast_in_dim3A_367 : f32 to vector<16xf32>
      %broadcast_in_dim3A_369 = arith.constant 0.000000e+00 : f32
      %broadcast_in_dim3A_370 = vector.broadcast %broadcast_in_dim3A_369 : f32 to vector<16xf32>
      %broadcast_in_dim3A_371 = arith.constant 0.000000e+00 : f32
      %broadcast_in_dim3A_372 = vector.broadcast %broadcast_in_dim3A_371 : f32 to vector<16xf32>
      %scan3A_373 = arith.constant 0 : i32
      %scan3A_374 = arith.constant 100 : i32
      %scan3A_375 = arith.addi %scan3A_373, %scan3A_374 : i32
      %scan3A_376 = arith.constant 1 : i32
      %scan3A_377:8 = scf.for %scan3A_690 = %scan3A_373 to %scan3A_375 step %scan3A_376 iter_args(%scan3A_691 = %broadcast_in_dim3A_358, %scan3A_692 = %broadcast_in_dim3A_360, %scan3A_693 = %broadcast_in_dim3A_362, %scan3A_694 = %broadcast_in_dim3A_364, %scan3A_695 = %broadcast_in_dim3A_366, %scan3A_696 = %broadcast_in_dim3A_368, %scan3A_697 = %broadcast_in_dim3A_370, %scan3A_698 = %broadcast_in_dim3A_372) -> (vector<16xf32>, vector<16xf32>, vector<16xf32>, vector<16xf32>, vector<16xf32>, vector<16xf32>, vector<16xf32>, vector<16xf32>)  : i32 {
        %mul3A_699 = arith.constant 2 : i32
        %mul3A_700 = arith.muli %mul3A_699, %scan3A_690 : i32
        %get3A = arith.index_cast %mul3A_700 : i32 to index
        %get3A_701 = arith.constant 0 : index
        %get3A_702 = tpu.vector_load %arg16[%get3A, %get3A_701] {strides = array<i32>} : memref<200x64xf32, #tpu.memory_space<vmem>>, vector<1x16xf32>,
        %get3A_703 = vector.shape_cast %get3A_702 : vector<1x16xf32> to vector<16xf32>
        %add3A_704 = arith.addf %scan3A_691, %get3A_703 : vector<16xf32>
        %mul3A_705 = arith.constant 2 : i32
        %mul3A_706 = arith.muli %mul3A_705, %scan3A_690 : i32
        %get3A_707 = arith.index_cast %mul3A_706 : i32 to index
        %get3A_708 = arith.constant 16 : index
        %get3A_709 = tpu.vector_load %arg16[%get3A_707, %get3A_708] {strides = array<i32>} : memref<200x64xf32, #tpu.memory_space<vmem>>, vector<1x16xf32>,
        %get3A_710 = vector.shape_cast %get3A_709 : vector<1x16xf32> to vector<16xf32>
        %add3A_711 = arith.addf %scan3A_692, %get3A_710 : vector<16xf32>
        %mul3A_712 = arith.constant 2 : i32
        %mul3A_713 = arith.muli %mul3A_712, %scan3A_690 : i32
        %get3A_714 = arith.index_cast %mul3A_713 : i32 to index
        %get3A_715 = arith.constant 32 : index
        %get3A_716 = tpu.vector_load %arg16[%get3A_714, %get3A_715] {strides = array<i32>} : memref<200x64xf32, #tpu.memory_space<vmem>>, vector<1x16xf32>,
        %get3A_717 = vector.shape_cast %get3A_716 : vector<1x16xf32> to vector<16xf32>
        %add3A_718 = arith.addf %scan3A_693, %get3A_717 : vector<16xf32>
        %mul3A_719 = arith.constant 2 : i32
        %mul3A_720 = arith.muli %mul3A_719, %scan3A_690 : i32
        %get3A_721 = arith.index_cast %mul3A_720 : i32 to index
        %get3A_722 = arith.constant 48 : index
        %get3A_723 = tpu.vector_load %arg16[%get3A_721, %get3A_722] {strides = array<i32>} : memref<200x64xf32, #tpu.memory_space<vmem>>, vector<1x16xf32>,
        %get3A_724 = vector.shape_cast %get3A_723 : vector<1x16xf32> to vector<16xf32>
        %add3A_725 = arith.addf %scan3A_694, %get3A_724 : vector<16xf32>
        %mul3A_726 = arith.constant 2 : i32
        %mul3A_727 = arith.muli %mul3A_726, %scan3A_690 : i32
        %add3A_728 = arith.constant 1 : i32
        %add3A_729 = arith.addi %mul3A_727, %add3A_728 : i32
        %get3A_730 = arith.index_cast %add3A_729 : i32 to index
        %get3A_731 = arith.constant 0 : index
        %get3A_732 = tpu.vector_load %arg16[%get3A_730, %get3A_731] {strides = array<i32>} : memref<200x64xf32, #tpu.memory_space<vmem>>, vector<1x16xf32>,
        %get3A_733 = vector.shape_cast %get3A_732 : vector<1x16xf32> to vector<16xf32>
        %add3A_734 = arith.addf %scan3A_695, %get3A_733 : vector<16xf32>
        %mul3A_735 = arith.constant 2 : i32
        %mul3A_736 = arith.muli %mul3A_735, %scan3A_690 : i32
        %add3A_737 = arith.constant 1 : i32
        %add3A_738 = arith.addi %mul3A_736, %add3A_737 : i32
        %get3A_739 = arith.index_cast %add3A_738 : i32 to index
        %get3A_740 = arith.constant 16 : index
        %get3A_741 = tpu.vector_load %arg16[%get3A_739, %get3A_740] {strides = array<i32>} : memref<200x64xf32, #tpu.memory_space<vmem>>, vector<1x16xf32>,
        %get3A_742 = vector.shape_cast %get3A_741 : vector<1x16xf32> to vector<16xf32>
        %add3A_743 = arith.addf %scan3A_696, %get3A_742 : vector<16xf32>
        %mul3A_744 = arith.constant 2 : i32
        %mul3A_745 = arith.muli %mul3A_744, %scan3A_690 : i32
        %add3A_746 = arith.constant 1 : i32
        %add3A_747 = arith.addi %mul3A_745, %add3A_746 : i32
        %get3A_748 = arith.index_cast %add3A_747 : i32 to index
        %get3A_749 = arith.constant 32 : index
        %get3A_750 = tpu.vector_load %arg16[%get3A_748, %get3A_749] {strides = array<i32>} : memref<200x64xf32, #tpu.memory_space<vmem>>, vector<1x16xf32>,
        %get3A_751 = vector.shape_cast %get3A_750 : vector<1x16xf32> to vector<16xf32>
        %add3A_752 = arith.addf %scan3A_697, %get3A_751 : vector<16xf32>
        %mul3A_753 = arith.constant 2 : i32
        %mul3A_754 = arith.muli %mul3A_753, %scan3A_690 : i32
        %add3A_755 = arith.constant 1 : i32
        %add3A_756 = arith.addi %mul3A_754, %add3A_755 : i32
        %get3A_757 = arith.index_cast %add3A_756 : i32 to index
        %get3A_758 = arith.constant 48 : index
        %get3A_759 = tpu.vector_load %arg16[%get3A_757, %get3A_758] {strides = array<i32>} : memref<200x64xf32, #tpu.memory_space<vmem>>, vector<1x16xf32>,
        %get3A_760 = vector.shape_cast %get3A_759 : vector<1x16xf32> to vector<16xf32>
        %add3A_761 = arith.addf %scan3A_698, %get3A_760 : vector<16xf32>
        scf.yield %add3A_704, %add3A_711, %add3A_718, %add3A_725, %add3A_734, %add3A_743, %add3A_752, %add3A_761 : vector<16xf32>, vector<16xf32>, vector<16xf32>, vector<16xf32>, vector<16xf32>, vector<16xf32>, vector<16xf32>, vector<16xf32>
      }
      %scan3A_378 = arith.constant 100 : i32
      %add3A_379 = arith.addf %scan3A_377#0, %scan3A_377#4 : vector<16xf32>
      %add3A_380 = arith.addf %scan3A_377#1, %scan3A_377#5 : vector<16xf32>
      %add3A_381 = arith.addf %scan3A_377#2, %scan3A_377#6 : vector<16xf32>
      %add3A_382 = arith.addf %scan3A_377#3, %scan3A_377#7 : vector<16xf32>
      %swap3A_383 = arith.constant 3 : i32
      %swap3A_384 = arith.index_cast %swap3A_383 : i32 to index
      %swap3A_385 = arith.constant 0 : index
      %swap3A_386 = tpu.vector_load %arg21[%swap3A_384, %swap3A_385] {strides = array<i32>} : memref<8x64xf32, #tpu.memory_space<vmem>>, vector<1x16xf32>,
      %swap3A_387 = vector.shape_cast %swap3A_386 : vector<1x16xf32> to vector<16xf32>
      %swap3A_388 = vector.shape_cast %add3A_379 : vector<16xf32> to vector<1x16xf32>
      tpu.vector_store %arg21[%swap3A_384, %swap3A_385], %swap3A_388 {strides = array<i32>} : memref<8x64xf32, #tpu.memory_space<vmem>>, vector<1x16xf32>,
      %swap3A_389 = arith.constant 3 : i32
      %swap3A_390 = arith.index_cast %swap3A_389 : i32 to index
      %swap3A_391 = arith.constant 16 : index
      %swap3A_392 = tpu.vector_load %arg21[%swap3A_390, %swap3A_391] {strides = array<i32>} : memref<8x64xf32, #tpu.memory_space<vmem>>, vector<1x16xf32>,
      %swap3A_393 = vector.shape_cast %swap3A_392 : vector<1x16xf32> to vector<16xf32>
      %swap3A_394 = vector.shape_cast %add3A_380 : vector<16xf32> to vector<1x16xf32>
      tpu.vector_store %arg21[%swap3A_390, %swap3A_391], %swap3A_394 {strides = array<i32>} : memref<8x64xf32, #tpu.memory_space<vmem>>, vector<1x16xf32>,
      %swap3A_395 = arith.constant 3 : i32
      %swap3A_396 = arith.index_cast %swap3A_395 : i32 to index
      %swap3A_397 = arith.constant 32 : index
      %swap3A_398 = tpu.vector_load %arg21[%swap3A_396, %swap3A_397] {strides = array<i32>} : memref<8x64xf32, #tpu.memory_space<vmem>>, vector<1x16xf32>,
      %swap3A_399 = vector.shape_cast %swap3A_398 : vector<1x16xf32> to vector<16xf32>
      %swap3A_400 = vector.shape_cast %add3A_381 : vector<16xf32> to vector<1x16xf32>
      tpu.vector_store %arg21[%swap3A_396, %swap3A_397], %swap3A_400 {strides = array<i32>} : memref<8x64xf32, #tpu.memory_space<vmem>>, vector<1x16xf32>,
      %swap3A_401 = arith.constant 3 : i32
      %swap3A_402 = arith.index_cast %swap3A_401 : i32 to index
      %swap3A_403 = arith.constant 48 : index
      %swap3A_404 = tpu.vector_load %arg21[%swap3A_402, %swap3A_403] {strides = array<i32>} : memref<8x64xf32, #tpu.memory_space<vmem>>, vector<1x16xf32>,
      %swap3A_405 = vector.shape_cast %swap3A_404 : vector<1x16xf32> to vector<16xf32>
      %swap3A_406 = vector.shape_cast %add3A_382 : vector<16xf32> to vector<1x16xf32>
      tpu.vector_store %arg21[%swap3A_402, %swap3A_403], %swap3A_406 {strides = array<i32>} : memref<8x64xf32, #tpu.memory_space<vmem>>, vector<1x16xf32>,
      %dma_wait3A_407 = arith.constant 0 : i32
      %dma_wait3A_408 = tpu.memref_slice %arg2[%dma_wait3A_407] : memref<3276800xi32, #tpu.memory_space<hbm>> -> memref<200xi32, #tpu.memory_space<hbm>>
      %dma_wait3A_409 = arith.constant 0 : i32
      %dma_wait3A_410 = tpu.memref_slice %arg2[%dma_wait3A_409] : memref<3276800xi32, #tpu.memory_space<hbm>> -> memref<200xi32, #tpu.memory_space<hbm>>
      tpu.wait_dma2 semaphore(%arg25 : memref<!tpu.dma_semaphore, #tpu.memory_space<semaphore_mem>>) src(%dma_wait3A_410 : memref<200xi32, #tpu.memory_space<hbm>>) dst(%arg8 : memref<200xi32, #tpu.memory_space<vmem>>)
      %dma_start3A_411 = arith.constant 0 : i32
      %dma_start3A_412 = arith.constant 0 : i32
      %dma_start3A_413 = tpu.memref_slice %arg3[%dma_start3A_411, %dma_start3A_412] : memref<1000000x64xf32, #tpu.memory_space<hbm>> -> memref<1000000x64xf32, #tpu.memory_space<hbm>>
      tpu.enqueue_indirect_dma source(%dma_start3A_413 : memref<1000000x64xf32, #tpu.memory_space<hbm>>) target(%arg16 : memref<200x64xf32, #tpu.memory_space<vmem>>) offsets(%arg8 : memref<200xi32, #tpu.memory_space<vmem>>) semaphore(%arg33 : memref<!tpu.dma_semaphore, #tpu.memory_space<semaphore_mem>>)
      %dma_wait3A_414 = arith.constant 0 : i32
      %dma_wait3A_415 = arith.constant 0 : i32
      %dma_wait3A_416 = tpu.memref_slice %arg3[%dma_wait3A_414, %dma_wait3A_415] : memref<1000000x64xf32, #tpu.memory_space<hbm>> -> memref<1000000x64xf32, #tpu.memory_space<hbm>>
      tpu.wait_indirect_dma semaphore(%arg34 : memref<!tpu.dma_semaphore, #tpu.memory_space<semaphore_mem>>) src(%dma_wait3A_416 : memref<1000000x64xf32, #tpu.memory_space<hbm>>) dst(%arg17 : memref<200x64xf32, #tpu.memory_space<vmem>>)
      %add3A_417 = arith.constant 8 : i32
      %add3A_418 = arith.addi %add3A_140, %add3A_417 : i32
      %add3A_419 = arith.constant 4 : i32
      %add3A_420 = arith.addi %add3A_418, %add3A_419 : i32
      %min3A_421 = arith.minsi %add3A_420, %sub3A_5 : i32
      %mul3A_422 = arith.constant 200 : i32
      %mul3A_423 = arith.muli %min3A_421, %mul3A_422 : i32
      %dma_start3A_424 = tpu.memref_slice %arg2[%mul3A_423] : memref<3276800xi32, #tpu.memory_space<hbm>> -> memref<200xi32, #tpu.memory_space<hbm>>
      %dma_start3A_425 = tpu.memref_slice %arg2[%mul3A_423] : memref<3276800xi32, #tpu.memory_space<hbm>> -> memref<200xi32, #tpu.memory_space<hbm>>
      tpu.enqueue_dma source(%dma_start3A_425 : memref<200xi32, #tpu.memory_space<hbm>>) target(%arg9 : memref<200xi32, #tpu.memory_space<vmem>>) target_semaphore(%arg26 : memref<!tpu.dma_semaphore, #tpu.memory_space<semaphore_mem>>)
      %broadcast_in_dim3A_426 = arith.constant 0.000000e+00 : f32
      %broadcast_in_dim3A_427 = vector.broadcast %broadcast_in_dim3A_426 : f32 to vector<16xf32>
      %broadcast_in_dim3A_428 = arith.constant 0.000000e+00 : f32
      %broadcast_in_dim3A_429 = vector.broadcast %broadcast_in_dim3A_428 : f32 to vector<16xf32>
      %broadcast_in_dim3A_430 = arith.constant 0.000000e+00 : f32
      %broadcast_in_dim3A_431 = vector.broadcast %broadcast_in_dim3A_430 : f32 to vector<16xf32>
      %broadcast_in_dim3A_432 = arith.constant 0.000000e+00 : f32
      %broadcast_in_dim3A_433 = vector.broadcast %broadcast_in_dim3A_432 : f32 to vector<16xf32>
      %broadcast_in_dim3A_434 = arith.constant 0.000000e+00 : f32
      %broadcast_in_dim3A_435 = vector.broadcast %broadcast_in_dim3A_434 : f32 to vector<16xf32>
      %broadcast_in_dim3A_436 = arith.constant 0.000000e+00 : f32
      %broadcast_in_dim3A_437 = vector.broadcast %broadcast_in_dim3A_436 : f32 to vector<16xf32>
      %broadcast_in_dim3A_438 = arith.constant 0.000000e+00 : f32
      %broadcast_in_dim3A_439 = vector.broadcast %broadcast_in_dim3A_438 : f32 to vector<16xf32>
      %broadcast_in_dim3A_440 = arith.constant 0.000000e+00 : f32
      %broadcast_in_dim3A_441 = vector.broadcast %broadcast_in_dim3A_440 : f32 to vector<16xf32>
      %scan3A_442 = arith.constant 0 : i32
      %scan3A_443 = arith.constant 100 : i32
      %scan3A_444 = arith.addi %scan3A_442, %scan3A_443 : i32
      %scan3A_445 = arith.constant 1 : i32
      %scan3A_446:8 = scf.for %scan3A_690 = %scan3A_442 to %scan3A_444 step %scan3A_445 iter_args(%scan3A_691 = %broadcast_in_dim3A_427, %scan3A_692 = %broadcast_in_dim3A_429, %scan3A_693 = %broadcast_in_dim3A_431, %scan3A_694 = %broadcast_in_dim3A_433, %scan3A_695 = %broadcast_in_dim3A_435, %scan3A_696 = %broadcast_in_dim3A_437, %scan3A_697 = %broadcast_in_dim3A_439, %scan3A_698 = %broadcast_in_dim3A_441) -> (vector<16xf32>, vector<16xf32>, vector<16xf32>, vector<16xf32>, vector<16xf32>, vector<16xf32>, vector<16xf32>, vector<16xf32>)  : i32 {
        %mul3A_699 = arith.constant 2 : i32
        %mul3A_700 = arith.muli %mul3A_699, %scan3A_690 : i32
        %get3A = arith.index_cast %mul3A_700 : i32 to index
        %get3A_701 = arith.constant 0 : index
        %get3A_702 = tpu.vector_load %arg17[%get3A, %get3A_701] {strides = array<i32>} : memref<200x64xf32, #tpu.memory_space<vmem>>, vector<1x16xf32>,
        %get3A_703 = vector.shape_cast %get3A_702 : vector<1x16xf32> to vector<16xf32>
        %add3A_704 = arith.addf %scan3A_691, %get3A_703 : vector<16xf32>
        %mul3A_705 = arith.constant 2 : i32
        %mul3A_706 = arith.muli %mul3A_705, %scan3A_690 : i32
        %get3A_707 = arith.index_cast %mul3A_706 : i32 to index
        %get3A_708 = arith.constant 16 : index
        %get3A_709 = tpu.vector_load %arg17[%get3A_707, %get3A_708] {strides = array<i32>} : memref<200x64xf32, #tpu.memory_space<vmem>>, vector<1x16xf32>,
        %get3A_710 = vector.shape_cast %get3A_709 : vector<1x16xf32> to vector<16xf32>
        %add3A_711 = arith.addf %scan3A_692, %get3A_710 : vector<16xf32>
        %mul3A_712 = arith.constant 2 : i32
        %mul3A_713 = arith.muli %mul3A_712, %scan3A_690 : i32
        %get3A_714 = arith.index_cast %mul3A_713 : i32 to index
        %get3A_715 = arith.constant 32 : index
        %get3A_716 = tpu.vector_load %arg17[%get3A_714, %get3A_715] {strides = array<i32>} : memref<200x64xf32, #tpu.memory_space<vmem>>, vector<1x16xf32>,
        %get3A_717 = vector.shape_cast %get3A_716 : vector<1x16xf32> to vector<16xf32>
        %add3A_718 = arith.addf %scan3A_693, %get3A_717 : vector<16xf32>
        %mul3A_719 = arith.constant 2 : i32
        %mul3A_720 = arith.muli %mul3A_719, %scan3A_690 : i32
        %get3A_721 = arith.index_cast %mul3A_720 : i32 to index
        %get3A_722 = arith.constant 48 : index
        %get3A_723 = tpu.vector_load %arg17[%get3A_721, %get3A_722] {strides = array<i32>} : memref<200x64xf32, #tpu.memory_space<vmem>>, vector<1x16xf32>,
        %get3A_724 = vector.shape_cast %get3A_723 : vector<1x16xf32> to vector<16xf32>
        %add3A_725 = arith.addf %scan3A_694, %get3A_724 : vector<16xf32>
        %mul3A_726 = arith.constant 2 : i32
        %mul3A_727 = arith.muli %mul3A_726, %scan3A_690 : i32
        %add3A_728 = arith.constant 1 : i32
        %add3A_729 = arith.addi %mul3A_727, %add3A_728 : i32
        %get3A_730 = arith.index_cast %add3A_729 : i32 to index
        %get3A_731 = arith.constant 0 : index
        %get3A_732 = tpu.vector_load %arg17[%get3A_730, %get3A_731] {strides = array<i32>} : memref<200x64xf32, #tpu.memory_space<vmem>>, vector<1x16xf32>,
        %get3A_733 = vector.shape_cast %get3A_732 : vector<1x16xf32> to vector<16xf32>
        %add3A_734 = arith.addf %scan3A_695, %get3A_733 : vector<16xf32>
        %mul3A_735 = arith.constant 2 : i32
        %mul3A_736 = arith.muli %mul3A_735, %scan3A_690 : i32
        %add3A_737 = arith.constant 1 : i32
        %add3A_738 = arith.addi %mul3A_736, %add3A_737 : i32
        %get3A_739 = arith.index_cast %add3A_738 : i32 to index
        %get3A_740 = arith.constant 16 : index
        %get3A_741 = tpu.vector_load %arg17[%get3A_739, %get3A_740] {strides = array<i32>} : memref<200x64xf32, #tpu.memory_space<vmem>>, vector<1x16xf32>,
        %get3A_742 = vector.shape_cast %get3A_741 : vector<1x16xf32> to vector<16xf32>
        %add3A_743 = arith.addf %scan3A_696, %get3A_742 : vector<16xf32>
        %mul3A_744 = arith.constant 2 : i32
        %mul3A_745 = arith.muli %mul3A_744, %scan3A_690 : i32
        %add3A_746 = arith.constant 1 : i32
        %add3A_747 = arith.addi %mul3A_745, %add3A_746 : i32
        %get3A_748 = arith.index_cast %add3A_747 : i32 to index
        %get3A_749 = arith.constant 32 : index
        %get3A_750 = tpu.vector_load %arg17[%get3A_748, %get3A_749] {strides = array<i32>} : memref<200x64xf32, #tpu.memory_space<vmem>>, vector<1x16xf32>,
        %get3A_751 = vector.shape_cast %get3A_750 : vector<1x16xf32> to vector<16xf32>
        %add3A_752 = arith.addf %scan3A_697, %get3A_751 : vector<16xf32>
        %mul3A_753 = arith.constant 2 : i32
        %mul3A_754 = arith.muli %mul3A_753, %scan3A_690 : i32
        %add3A_755 = arith.constant 1 : i32
        %add3A_756 = arith.addi %mul3A_754, %add3A_755 : i32
        %get3A_757 = arith.index_cast %add3A_756 : i32 to index
        %get3A_758 = arith.constant 48 : index
        %get3A_759 = tpu.vector_load %arg17[%get3A_757, %get3A_758] {strides = array<i32>} : memref<200x64xf32, #tpu.memory_space<vmem>>, vector<1x16xf32>,
        %get3A_760 = vector.shape_cast %get3A_759 : vector<1x16xf32> to vector<16xf32>
        %add3A_761 = arith.addf %scan3A_698, %get3A_760 : vector<16xf32>
        scf.yield %add3A_704, %add3A_711, %add3A_718, %add3A_725, %add3A_734, %add3A_743, %add3A_752, %add3A_761 : vector<16xf32>, vector<16xf32>, vector<16xf32>, vector<16xf32>, vector<16xf32>, vector<16xf32>, vector<16xf32>, vector<16xf32>
      }
      %scan3A_447 = arith.constant 100 : i32
      %add3A_448 = arith.addf %scan3A_446#0, %scan3A_446#4 : vector<16xf32>
      %add3A_449 = arith.addf %scan3A_446#1, %scan3A_446#5 : vector<16xf32>
      %add3A_450 = arith.addf %scan3A_446#2, %scan3A_446#6 : vector<16xf32>
      %add3A_451 = arith.addf %scan3A_446#3, %scan3A_446#7 : vector<16xf32>
      %swap3A_452 = arith.constant 4 : i32
      %swap3A_453 = arith.index_cast %swap3A_452 : i32 to index
      %swap3A_454 = arith.constant 0 : index
      %swap3A_455 = tpu.vector_load %arg21[%swap3A_453, %swap3A_454] {strides = array<i32>} : memref<8x64xf32, #tpu.memory_space<vmem>>, vector<1x16xf32>,
      %swap3A_456 = vector.shape_cast %swap3A_455 : vector<1x16xf32> to vector<16xf32>
      %swap3A_457 = vector.shape_cast %add3A_448 : vector<16xf32> to vector<1x16xf32>
      tpu.vector_store %arg21[%swap3A_453, %swap3A_454], %swap3A_457 {strides = array<i32>} : memref<8x64xf32, #tpu.memory_space<vmem>>, vector<1x16xf32>,
      %swap3A_458 = arith.constant 4 : i32
      %swap3A_459 = arith.index_cast %swap3A_458 : i32 to index
      %swap3A_460 = arith.constant 16 : index
      %swap3A_461 = tpu.vector_load %arg21[%swap3A_459, %swap3A_460] {strides = array<i32>} : memref<8x64xf32, #tpu.memory_space<vmem>>, vector<1x16xf32>,
      %swap3A_462 = vector.shape_cast %swap3A_461 : vector<1x16xf32> to vector<16xf32>
      %swap3A_463 = vector.shape_cast %add3A_449 : vector<16xf32> to vector<1x16xf32>
      tpu.vector_store %arg21[%swap3A_459, %swap3A_460], %swap3A_463 {strides = array<i32>} : memref<8x64xf32, #tpu.memory_space<vmem>>, vector<1x16xf32>,
      %swap3A_464 = arith.constant 4 : i32
      %swap3A_465 = arith.index_cast %swap3A_464 : i32 to index
      %swap3A_466 = arith.constant 32 : index
      %swap3A_467 = tpu.vector_load %arg21[%swap3A_465, %swap3A_466] {strides = array<i32>} : memref<8x64xf32, #tpu.memory_space<vmem>>, vector<1x16xf32>,
      %swap3A_468 = vector.shape_cast %swap3A_467 : vector<1x16xf32> to vector<16xf32>
      %swap3A_469 = vector.shape_cast %add3A_450 : vector<16xf32> to vector<1x16xf32>
      tpu.vector_store %arg21[%swap3A_465, %swap3A_466], %swap3A_469 {strides = array<i32>} : memref<8x64xf32, #tpu.memory_space<vmem>>, vector<1x16xf32>,
      %swap3A_470 = arith.constant 4 : i32
      %swap3A_471 = arith.index_cast %swap3A_470 : i32 to index
      %swap3A_472 = arith.constant 48 : index
      %swap3A_473 = tpu.vector_load %arg21[%swap3A_471, %swap3A_472] {strides = array<i32>} : memref<8x64xf32, #tpu.memory_space<vmem>>, vector<1x16xf32>,
      %swap3A_474 = vector.shape_cast %swap3A_473 : vector<1x16xf32> to vector<16xf32>
      %swap3A_475 = vector.shape_cast %add3A_451 : vector<16xf32> to vector<1x16xf32>
      tpu.vector_store %arg21[%swap3A_471, %swap3A_472], %swap3A_475 {strides = array<i32>} : memref<8x64xf32, #tpu.memory_space<vmem>>, vector<1x16xf32>,
      %dma_wait3A_476 = arith.constant 0 : i32
      %dma_wait3A_477 = tpu.memref_slice %arg2[%dma_wait3A_476] : memref<3276800xi32, #tpu.memory_space<hbm>> -> memref<200xi32, #tpu.memory_space<hbm>>
      %dma_wait3A_478 = arith.constant 0 : i32
      %dma_wait3A_479 = tpu.memref_slice %arg2[%dma_wait3A_478] : memref<3276800xi32, #tpu.memory_space<hbm>> -> memref<200xi32, #tpu.memory_space<hbm>>
      tpu.wait_dma2 semaphore(%arg26 : memref<!tpu.dma_semaphore, #tpu.memory_space<semaphore_mem>>) src(%dma_wait3A_479 : memref<200xi32, #tpu.memory_space<hbm>>) dst(%arg9 : memref<200xi32, #tpu.memory_space<vmem>>)
      %dma_start3A_480 = arith.constant 0 : i32
      %dma_start3A_481 = arith.constant 0 : i32
      %dma_start3A_482 = tpu.memref_slice %arg3[%dma_start3A_480, %dma_start3A_481] : memref<1000000x64xf32, #tpu.memory_space<hbm>> -> memref<1000000x64xf32, #tpu.memory_space<hbm>>
      tpu.enqueue_indirect_dma source(%dma_start3A_482 : memref<1000000x64xf32, #tpu.memory_space<hbm>>) target(%arg17 : memref<200x64xf32, #tpu.memory_space<vmem>>) offsets(%arg9 : memref<200xi32, #tpu.memory_space<vmem>>) semaphore(%arg34 : memref<!tpu.dma_semaphore, #tpu.memory_space<semaphore_mem>>)
      %dma_wait3A_483 = arith.constant 0 : i32
      %dma_wait3A_484 = arith.constant 0 : i32
      %dma_wait3A_485 = tpu.memref_slice %arg3[%dma_wait3A_483, %dma_wait3A_484] : memref<1000000x64xf32, #tpu.memory_space<hbm>> -> memref<1000000x64xf32, #tpu.memory_space<hbm>>
      tpu.wait_indirect_dma semaphore(%arg35 : memref<!tpu.dma_semaphore, #tpu.memory_space<semaphore_mem>>) src(%dma_wait3A_485 : memref<1000000x64xf32, #tpu.memory_space<hbm>>) dst(%arg18 : memref<200x64xf32, #tpu.memory_space<vmem>>)
      %add3A_486 = arith.constant 8 : i32
      %add3A_487 = arith.addi %add3A_140, %add3A_486 : i32
      %add3A_488 = arith.constant 5 : i32
      %add3A_489 = arith.addi %add3A_487, %add3A_488 : i32
      %min3A_490 = arith.minsi %add3A_489, %sub3A_5 : i32
      %mul3A_491 = arith.constant 200 : i32
      %mul3A_492 = arith.muli %min3A_490, %mul3A_491 : i32
      %dma_start3A_493 = tpu.memref_slice %arg2[%mul3A_492] : memref<3276800xi32, #tpu.memory_space<hbm>> -> memref<200xi32, #tpu.memory_space<hbm>>
      %dma_start3A_494 = tpu.memref_slice %arg2[%mul3A_492] : memref<3276800xi32, #tpu.memory_space<hbm>> -> memref<200xi32, #tpu.memory_space<hbm>>
      tpu.enqueue_dma source(%dma_start3A_494 : memref<200xi32, #tpu.memory_space<hbm>>) target(%arg10 : memref<200xi32, #tpu.memory_space<vmem>>) target_semaphore(%arg27 : memref<!tpu.dma_semaphore, #tpu.memory_space<semaphore_mem>>)
      %broadcast_in_dim3A_495 = arith.constant 0.000000e+00 : f32
      %broadcast_in_dim3A_496 = vector.broadcast %broadcast_in_dim3A_495 : f32 to vector<16xf32>
      %broadcast_in_dim3A_497 = arith.constant 0.000000e+00 : f32
      %broadcast_in_dim3A_498 = vector.broadcast %broadcast_in_dim3A_497 : f32 to vector<16xf32>
      %broadcast_in_dim3A_499 = arith.constant 0.000000e+00 : f32
      %broadcast_in_dim3A_500 = vector.broadcast %broadcast_in_dim3A_499 : f32 to vector<16xf32>
      %broadcast_in_dim3A_501 = arith.constant 0.000000e+00 : f32
      %broadcast_in_dim3A_502 = vector.broadcast %broadcast_in_dim3A_501 : f32 to vector<16xf32>
      %broadcast_in_dim3A_503 = arith.constant 0.000000e+00 : f32
      %broadcast_in_dim3A_504 = vector.broadcast %broadcast_in_dim3A_503 : f32 to vector<16xf32>
      %broadcast_in_dim3A_505 = arith.constant 0.000000e+00 : f32
      %broadcast_in_dim3A_506 = vector.broadcast %broadcast_in_dim3A_505 : f32 to vector<16xf32>
      %broadcast_in_dim3A_507 = arith.constant 0.000000e+00 : f32
      %broadcast_in_dim3A_508 = vector.broadcast %broadcast_in_dim3A_507 : f32 to vector<16xf32>
      %broadcast_in_dim3A_509 = arith.constant 0.000000e+00 : f32
      %broadcast_in_dim3A_510 = vector.broadcast %broadcast_in_dim3A_509 : f32 to vector<16xf32>
      %scan3A_511 = arith.constant 0 : i32
      %scan3A_512 = arith.constant 100 : i32
      %scan3A_513 = arith.addi %scan3A_511, %scan3A_512 : i32
      %scan3A_514 = arith.constant 1 : i32
      %scan3A_515:8 = scf.for %scan3A_690 = %scan3A_511 to %scan3A_513 step %scan3A_514 iter_args(%scan3A_691 = %broadcast_in_dim3A_496, %scan3A_692 = %broadcast_in_dim3A_498, %scan3A_693 = %broadcast_in_dim3A_500, %scan3A_694 = %broadcast_in_dim3A_502, %scan3A_695 = %broadcast_in_dim3A_504, %scan3A_696 = %broadcast_in_dim3A_506, %scan3A_697 = %broadcast_in_dim3A_508, %scan3A_698 = %broadcast_in_dim3A_510) -> (vector<16xf32>, vector<16xf32>, vector<16xf32>, vector<16xf32>, vector<16xf32>, vector<16xf32>, vector<16xf32>, vector<16xf32>)  : i32 {
        %mul3A_699 = arith.constant 2 : i32
        %mul3A_700 = arith.muli %mul3A_699, %scan3A_690 : i32
        %get3A = arith.index_cast %mul3A_700 : i32 to index
        %get3A_701 = arith.constant 0 : index
        %get3A_702 = tpu.vector_load %arg18[%get3A, %get3A_701] {strides = array<i32>} : memref<200x64xf32, #tpu.memory_space<vmem>>, vector<1x16xf32>,
        %get3A_703 = vector.shape_cast %get3A_702 : vector<1x16xf32> to vector<16xf32>
        %add3A_704 = arith.addf %scan3A_691, %get3A_703 : vector<16xf32>
        %mul3A_705 = arith.constant 2 : i32
        %mul3A_706 = arith.muli %mul3A_705, %scan3A_690 : i32
        %get3A_707 = arith.index_cast %mul3A_706 : i32 to index
        %get3A_708 = arith.constant 16 : index
        %get3A_709 = tpu.vector_load %arg18[%get3A_707, %get3A_708] {strides = array<i32>} : memref<200x64xf32, #tpu.memory_space<vmem>>, vector<1x16xf32>,
        %get3A_710 = vector.shape_cast %get3A_709 : vector<1x16xf32> to vector<16xf32>
        %add3A_711 = arith.addf %scan3A_692, %get3A_710 : vector<16xf32>
        %mul3A_712 = arith.constant 2 : i32
        %mul3A_713 = arith.muli %mul3A_712, %scan3A_690 : i32
        %get3A_714 = arith.index_cast %mul3A_713 : i32 to index
        %get3A_715 = arith.constant 32 : index
        %get3A_716 = tpu.vector_load %arg18[%get3A_714, %get3A_715] {strides = array<i32>} : memref<200x64xf32, #tpu.memory_space<vmem>>, vector<1x16xf32>,
        %get3A_717 = vector.shape_cast %get3A_716 : vector<1x16xf32> to vector<16xf32>
        %add3A_718 = arith.addf %scan3A_693, %get3A_717 : vector<16xf32>
        %mul3A_719 = arith.constant 2 : i32
        %mul3A_720 = arith.muli %mul3A_719, %scan3A_690 : i32
        %get3A_721 = arith.index_cast %mul3A_720 : i32 to index
        %get3A_722 = arith.constant 48 : index
        %get3A_723 = tpu.vector_load %arg18[%get3A_721, %get3A_722] {strides = array<i32>} : memref<200x64xf32, #tpu.memory_space<vmem>>, vector<1x16xf32>,
        %get3A_724 = vector.shape_cast %get3A_723 : vector<1x16xf32> to vector<16xf32>
        %add3A_725 = arith.addf %scan3A_694, %get3A_724 : vector<16xf32>
        %mul3A_726 = arith.constant 2 : i32
        %mul3A_727 = arith.muli %mul3A_726, %scan3A_690 : i32
        %add3A_728 = arith.constant 1 : i32
        %add3A_729 = arith.addi %mul3A_727, %add3A_728 : i32
        %get3A_730 = arith.index_cast %add3A_729 : i32 to index
        %get3A_731 = arith.constant 0 : index
        %get3A_732 = tpu.vector_load %arg18[%get3A_730, %get3A_731] {strides = array<i32>} : memref<200x64xf32, #tpu.memory_space<vmem>>, vector<1x16xf32>,
        %get3A_733 = vector.shape_cast %get3A_732 : vector<1x16xf32> to vector<16xf32>
        %add3A_734 = arith.addf %scan3A_695, %get3A_733 : vector<16xf32>
        %mul3A_735 = arith.constant 2 : i32
        %mul3A_736 = arith.muli %mul3A_735, %scan3A_690 : i32
        %add3A_737 = arith.constant 1 : i32
        %add3A_738 = arith.addi %mul3A_736, %add3A_737 : i32
        %get3A_739 = arith.index_cast %add3A_738 : i32 to index
        %get3A_740 = arith.constant 16 : index
        %get3A_741 = tpu.vector_load %arg18[%get3A_739, %get3A_740] {strides = array<i32>} : memref<200x64xf32, #tpu.memory_space<vmem>>, vector<1x16xf32>,
        %get3A_742 = vector.shape_cast %get3A_741 : vector<1x16xf32> to vector<16xf32>
        %add3A_743 = arith.addf %scan3A_696, %get3A_742 : vector<16xf32>
        %mul3A_744 = arith.constant 2 : i32
        %mul3A_745 = arith.muli %mul3A_744, %scan3A_690 : i32
        %add3A_746 = arith.constant 1 : i32
        %add3A_747 = arith.addi %mul3A_745, %add3A_746 : i32
        %get3A_748 = arith.index_cast %add3A_747 : i32 to index
        %get3A_749 = arith.constant 32 : index
        %get3A_750 = tpu.vector_load %arg18[%get3A_748, %get3A_749] {strides = array<i32>} : memref<200x64xf32, #tpu.memory_space<vmem>>, vector<1x16xf32>,
        %get3A_751 = vector.shape_cast %get3A_750 : vector<1x16xf32> to vector<16xf32>
        %add3A_752 = arith.addf %scan3A_697, %get3A_751 : vector<16xf32>
        %mul3A_753 = arith.constant 2 : i32
        %mul3A_754 = arith.muli %mul3A_753, %scan3A_690 : i32
        %add3A_755 = arith.constant 1 : i32
        %add3A_756 = arith.addi %mul3A_754, %add3A_755 : i32
        %get3A_757 = arith.index_cast %add3A_756 : i32 to index
        %get3A_758 = arith.constant 48 : index
        %get3A_759 = tpu.vector_load %arg18[%get3A_757, %get3A_758] {strides = array<i32>} : memref<200x64xf32, #tpu.memory_space<vmem>>, vector<1x16xf32>,
        %get3A_760 = vector.shape_cast %get3A_759 : vector<1x16xf32> to vector<16xf32>
        %add3A_761 = arith.addf %scan3A_698, %get3A_760 : vector<16xf32>
        scf.yield %add3A_704, %add3A_711, %add3A_718, %add3A_725, %add3A_734, %add3A_743, %add3A_752, %add3A_761 : vector<16xf32>, vector<16xf32>, vector<16xf32>, vector<16xf32>, vector<16xf32>, vector<16xf32>, vector<16xf32>, vector<16xf32>
      }
      %scan3A_516 = arith.constant 100 : i32
      %add3A_517 = arith.addf %scan3A_515#0, %scan3A_515#4 : vector<16xf32>
      %add3A_518 = arith.addf %scan3A_515#1, %scan3A_515#5 : vector<16xf32>
      %add3A_519 = arith.addf %scan3A_515#2, %scan3A_515#6 : vector<16xf32>
      %add3A_520 = arith.addf %scan3A_515#3, %scan3A_515#7 : vector<16xf32>
      %swap3A_521 = arith.constant 5 : i32
      %swap3A_522 = arith.index_cast %swap3A_521 : i32 to index
      %swap3A_523 = arith.constant 0 : index
      %swap3A_524 = tpu.vector_load %arg21[%swap3A_522, %swap3A_523] {strides = array<i32>} : memref<8x64xf32, #tpu.memory_space<vmem>>, vector<1x16xf32>,
      %swap3A_525 = vector.shape_cast %swap3A_524 : vector<1x16xf32> to vector<16xf32>
      %swap3A_526 = vector.shape_cast %add3A_517 : vector<16xf32> to vector<1x16xf32>
      tpu.vector_store %arg21[%swap3A_522, %swap3A_523], %swap3A_526 {strides = array<i32>} : memref<8x64xf32, #tpu.memory_space<vmem>>, vector<1x16xf32>,
      %swap3A_527 = arith.constant 5 : i32
      %swap3A_528 = arith.index_cast %swap3A_527 : i32 to index
      %swap3A_529 = arith.constant 16 : index
      %swap3A_530 = tpu.vector_load %arg21[%swap3A_528, %swap3A_529] {strides = array<i32>} : memref<8x64xf32, #tpu.memory_space<vmem>>, vector<1x16xf32>,
      %swap3A_531 = vector.shape_cast %swap3A_530 : vector<1x16xf32> to vector<16xf32>
      %swap3A_532 = vector.shape_cast %add3A_518 : vector<16xf32> to vector<1x16xf32>
      tpu.vector_store %arg21[%swap3A_528, %swap3A_529], %swap3A_532 {strides = array<i32>} : memref<8x64xf32, #tpu.memory_space<vmem>>, vector<1x16xf32>,
      %swap3A_533 = arith.constant 5 : i32
      %swap3A_534 = arith.index_cast %swap3A_533 : i32 to index
      %swap3A_535 = arith.constant 32 : index
      %swap3A_536 = tpu.vector_load %arg21[%swap3A_534, %swap3A_535] {strides = array<i32>} : memref<8x64xf32, #tpu.memory_space<vmem>>, vector<1x16xf32>,
      %swap3A_537 = vector.shape_cast %swap3A_536 : vector<1x16xf32> to vector<16xf32>
      %swap3A_538 = vector.shape_cast %add3A_519 : vector<16xf32> to vector<1x16xf32>
      tpu.vector_store %arg21[%swap3A_534, %swap3A_535], %swap3A_538 {strides = array<i32>} : memref<8x64xf32, #tpu.memory_space<vmem>>, vector<1x16xf32>,
      %swap3A_539 = arith.constant 5 : i32
      %swap3A_540 = arith.index_cast %swap3A_539 : i32 to index
      %swap3A_541 = arith.constant 48 : index
      %swap3A_542 = tpu.vector_load %arg21[%swap3A_540, %swap3A_541] {strides = array<i32>} : memref<8x64xf32, #tpu.memory_space<vmem>>, vector<1x16xf32>,
      %swap3A_543 = vector.shape_cast %swap3A_542 : vector<1x16xf32> to vector<16xf32>
      %swap3A_544 = vector.shape_cast %add3A_520 : vector<16xf32> to vector<1x16xf32>
      tpu.vector_store %arg21[%swap3A_540, %swap3A_541], %swap3A_544 {strides = array<i32>} : memref<8x64xf32, #tpu.memory_space<vmem>>, vector<1x16xf32>,
      %dma_wait3A_545 = arith.constant 0 : i32
      %dma_wait3A_546 = tpu.memref_slice %arg2[%dma_wait3A_545] : memref<3276800xi32, #tpu.memory_space<hbm>> -> memref<200xi32, #tpu.memory_space<hbm>>
      %dma_wait3A_547 = arith.constant 0 : i32
      %dma_wait3A_548 = tpu.memref_slice %arg2[%dma_wait3A_547] : memref<3276800xi32, #tpu.memory_space<hbm>> -> memref<200xi32, #tpu.memory_space<hbm>>
      tpu.wait_dma2 semaphore(%arg27 : memref<!tpu.dma_semaphore, #tpu.memory_space<semaphore_mem>>) src(%dma_wait3A_548 : memref<200xi32, #tpu.memory_space<hbm>>) dst(%arg10 : memref<200xi32, #tpu.memory_space<vmem>>)
      %dma_start3A_549 = arith.constant 0 : i32
      %dma_start3A_550 = arith.constant 0 : i32
      %dma_start3A_551 = tpu.memref_slice %arg3[%dma_start3A_549, %dma_start3A_550] : memref<1000000x64xf32, #tpu.memory_space<hbm>> -> memref<1000000x64xf32, #tpu.memory_space<hbm>>
      tpu.enqueue_indirect_dma source(%dma_start3A_551 : memref<1000000x64xf32, #tpu.memory_space<hbm>>) target(%arg18 : memref<200x64xf32, #tpu.memory_space<vmem>>) offsets(%arg10 : memref<200xi32, #tpu.memory_space<vmem>>) semaphore(%arg35 : memref<!tpu.dma_semaphore, #tpu.memory_space<semaphore_mem>>)
      %dma_wait3A_552 = arith.constant 0 : i32
      %dma_wait3A_553 = arith.constant 0 : i32
      %dma_wait3A_554 = tpu.memref_slice %arg3[%dma_wait3A_552, %dma_wait3A_553] : memref<1000000x64xf32, #tpu.memory_space<hbm>> -> memref<1000000x64xf32, #tpu.memory_space<hbm>>
      tpu.wait_indirect_dma semaphore(%arg36 : memref<!tpu.dma_semaphore, #tpu.memory_space<semaphore_mem>>) src(%dma_wait3A_554 : memref<1000000x64xf32, #tpu.memory_space<hbm>>) dst(%arg19 : memref<200x64xf32, #tpu.memory_space<vmem>>)
      %add3A_555 = arith.constant 8 : i32
      %add3A_556 = arith.addi %add3A_140, %add3A_555 : i32
      %add3A_557 = arith.constant 6 : i32
      %add3A_558 = arith.addi %add3A_556, %add3A_557 : i32
      %min3A_559 = arith.minsi %add3A_558, %sub3A_5 : i32
      %mul3A_560 = arith.constant 200 : i32
      %mul3A_561 = arith.muli %min3A_559, %mul3A_560 : i32
      %dma_start3A_562 = tpu.memref_slice %arg2[%mul3A_561] : memref<3276800xi32, #tpu.memory_space<hbm>> -> memref<200xi32, #tpu.memory_space<hbm>>
      %dma_start3A_563 = tpu.memref_slice %arg2[%mul3A_561] : memref<3276800xi32, #tpu.memory_space<hbm>> -> memref<200xi32, #tpu.memory_space<hbm>>
      tpu.enqueue_dma source(%dma_start3A_563 : memref<200xi32, #tpu.memory_space<hbm>>) target(%arg11 : memref<200xi32, #tpu.memory_space<vmem>>) target_semaphore(%arg28 : memref<!tpu.dma_semaphore, #tpu.memory_space<semaphore_mem>>)
      %broadcast_in_dim3A_564 = arith.constant 0.000000e+00 : f32
      %broadcast_in_dim3A_565 = vector.broadcast %broadcast_in_dim3A_564 : f32 to vector<16xf32>
      %broadcast_in_dim3A_566 = arith.constant 0.000000e+00 : f32
      %broadcast_in_dim3A_567 = vector.broadcast %broadcast_in_dim3A_566 : f32 to vector<16xf32>
      %broadcast_in_dim3A_568 = arith.constant 0.000000e+00 : f32
      %broadcast_in_dim3A_569 = vector.broadcast %broadcast_in_dim3A_568 : f32 to vector<16xf32>
      %broadcast_in_dim3A_570 = arith.constant 0.000000e+00 : f32
      %broadcast_in_dim3A_571 = vector.broadcast %broadcast_in_dim3A_570 : f32 to vector<16xf32>
      %broadcast_in_dim3A_572 = arith.constant 0.000000e+00 : f32
      %broadcast_in_dim3A_573 = vector.broadcast %broadcast_in_dim3A_572 : f32 to vector<16xf32>
      %broadcast_in_dim3A_574 = arith.constant 0.000000e+00 : f32
      %broadcast_in_dim3A_575 = vector.broadcast %broadcast_in_dim3A_574 : f32 to vector<16xf32>
      %broadcast_in_dim3A_576 = arith.constant 0.000000e+00 : f32
      %broadcast_in_dim3A_577 = vector.broadcast %broadcast_in_dim3A_576 : f32 to vector<16xf32>
      %broadcast_in_dim3A_578 = arith.constant 0.000000e+00 : f32
      %broadcast_in_dim3A_579 = vector.broadcast %broadcast_in_dim3A_578 : f32 to vector<16xf32>
      %scan3A_580 = arith.constant 0 : i32
      %scan3A_581 = arith.constant 100 : i32
      %scan3A_582 = arith.addi %scan3A_580, %scan3A_581 : i32
      %scan3A_583 = arith.constant 1 : i32
      %scan3A_584:8 = scf.for %scan3A_690 = %scan3A_580 to %scan3A_582 step %scan3A_583 iter_args(%scan3A_691 = %broadcast_in_dim3A_565, %scan3A_692 = %broadcast_in_dim3A_567, %scan3A_693 = %broadcast_in_dim3A_569, %scan3A_694 = %broadcast_in_dim3A_571, %scan3A_695 = %broadcast_in_dim3A_573, %scan3A_696 = %broadcast_in_dim3A_575, %scan3A_697 = %broadcast_in_dim3A_577, %scan3A_698 = %broadcast_in_dim3A_579) -> (vector<16xf32>, vector<16xf32>, vector<16xf32>, vector<16xf32>, vector<16xf32>, vector<16xf32>, vector<16xf32>, vector<16xf32>)  : i32 {
        %mul3A_699 = arith.constant 2 : i32
        %mul3A_700 = arith.muli %mul3A_699, %scan3A_690 : i32
        %get3A = arith.index_cast %mul3A_700 : i32 to index
        %get3A_701 = arith.constant 0 : index
        %get3A_702 = tpu.vector_load %arg19[%get3A, %get3A_701] {strides = array<i32>} : memref<200x64xf32, #tpu.memory_space<vmem>>, vector<1x16xf32>,
        %get3A_703 = vector.shape_cast %get3A_702 : vector<1x16xf32> to vector<16xf32>
        %add3A_704 = arith.addf %scan3A_691, %get3A_703 : vector<16xf32>
        %mul3A_705 = arith.constant 2 : i32
        %mul3A_706 = arith.muli %mul3A_705, %scan3A_690 : i32
        %get3A_707 = arith.index_cast %mul3A_706 : i32 to index
        %get3A_708 = arith.constant 16 : index
        %get3A_709 = tpu.vector_load %arg19[%get3A_707, %get3A_708] {strides = array<i32>} : memref<200x64xf32, #tpu.memory_space<vmem>>, vector<1x16xf32>,
        %get3A_710 = vector.shape_cast %get3A_709 : vector<1x16xf32> to vector<16xf32>
        %add3A_711 = arith.addf %scan3A_692, %get3A_710 : vector<16xf32>
        %mul3A_712 = arith.constant 2 : i32
        %mul3A_713 = arith.muli %mul3A_712, %scan3A_690 : i32
        %get3A_714 = arith.index_cast %mul3A_713 : i32 to index
        %get3A_715 = arith.constant 32 : index
        %get3A_716 = tpu.vector_load %arg19[%get3A_714, %get3A_715] {strides = array<i32>} : memref<200x64xf32, #tpu.memory_space<vmem>>, vector<1x16xf32>,
        %get3A_717 = vector.shape_cast %get3A_716 : vector<1x16xf32> to vector<16xf32>
        %add3A_718 = arith.addf %scan3A_693, %get3A_717 : vector<16xf32>
        %mul3A_719 = arith.constant 2 : i32
        %mul3A_720 = arith.muli %mul3A_719, %scan3A_690 : i32
        %get3A_721 = arith.index_cast %mul3A_720 : i32 to index
        %get3A_722 = arith.constant 48 : index
        %get3A_723 = tpu.vector_load %arg19[%get3A_721, %get3A_722] {strides = array<i32>} : memref<200x64xf32, #tpu.memory_space<vmem>>, vector<1x16xf32>,
        %get3A_724 = vector.shape_cast %get3A_723 : vector<1x16xf32> to vector<16xf32>
        %add3A_725 = arith.addf %scan3A_694, %get3A_724 : vector<16xf32>
        %mul3A_726 = arith.constant 2 : i32
        %mul3A_727 = arith.muli %mul3A_726, %scan3A_690 : i32
        %add3A_728 = arith.constant 1 : i32
        %add3A_729 = arith.addi %mul3A_727, %add3A_728 : i32
        %get3A_730 = arith.index_cast %add3A_729 : i32 to index
        %get3A_731 = arith.constant 0 : index
        %get3A_732 = tpu.vector_load %arg19[%get3A_730, %get3A_731] {strides = array<i32>} : memref<200x64xf32, #tpu.memory_space<vmem>>, vector<1x16xf32>,
        %get3A_733 = vector.shape_cast %get3A_732 : vector<1x16xf32> to vector<16xf32>
        %add3A_734 = arith.addf %scan3A_695, %get3A_733 : vector<16xf32>
        %mul3A_735 = arith.constant 2 : i32
        %mul3A_736 = arith.muli %mul3A_735, %scan3A_690 : i32
        %add3A_737 = arith.constant 1 : i32
        %add3A_738 = arith.addi %mul3A_736, %add3A_737 : i32
        %get3A_739 = arith.index_cast %add3A_738 : i32 to index
        %get3A_740 = arith.constant 16 : index
        %get3A_741 = tpu.vector_load %arg19[%get3A_739, %get3A_740] {strides = array<i32>} : memref<200x64xf32, #tpu.memory_space<vmem>>, vector<1x16xf32>,
        %get3A_742 = vector.shape_cast %get3A_741 : vector<1x16xf32> to vector<16xf32>
        %add3A_743 = arith.addf %scan3A_696, %get3A_742 : vector<16xf32>
        %mul3A_744 = arith.constant 2 : i32
        %mul3A_745 = arith.muli %mul3A_744, %scan3A_690 : i32
        %add3A_746 = arith.constant 1 : i32
        %add3A_747 = arith.addi %mul3A_745, %add3A_746 : i32
        %get3A_748 = arith.index_cast %add3A_747 : i32 to index
        %get3A_749 = arith.constant 32 : index
        %get3A_750 = tpu.vector_load %arg19[%get3A_748, %get3A_749] {strides = array<i32>} : memref<200x64xf32, #tpu.memory_space<vmem>>, vector<1x16xf32>,
        %get3A_751 = vector.shape_cast %get3A_750 : vector<1x16xf32> to vector<16xf32>
        %add3A_752 = arith.addf %scan3A_697, %get3A_751 : vector<16xf32>
        %mul3A_753 = arith.constant 2 : i32
        %mul3A_754 = arith.muli %mul3A_753, %scan3A_690 : i32
        %add3A_755 = arith.constant 1 : i32
        %add3A_756 = arith.addi %mul3A_754, %add3A_755 : i32
        %get3A_757 = arith.index_cast %add3A_756 : i32 to index
        %get3A_758 = arith.constant 48 : index
        %get3A_759 = tpu.vector_load %arg19[%get3A_757, %get3A_758] {strides = array<i32>} : memref<200x64xf32, #tpu.memory_space<vmem>>, vector<1x16xf32>,
        %get3A_760 = vector.shape_cast %get3A_759 : vector<1x16xf32> to vector<16xf32>
        %add3A_761 = arith.addf %scan3A_698, %get3A_760 : vector<16xf32>
        scf.yield %add3A_704, %add3A_711, %add3A_718, %add3A_725, %add3A_734, %add3A_743, %add3A_752, %add3A_761 : vector<16xf32>, vector<16xf32>, vector<16xf32>, vector<16xf32>, vector<16xf32>, vector<16xf32>, vector<16xf32>, vector<16xf32>
      }
      %scan3A_585 = arith.constant 100 : i32
      %add3A_586 = arith.addf %scan3A_584#0, %scan3A_584#4 : vector<16xf32>
      %add3A_587 = arith.addf %scan3A_584#1, %scan3A_584#5 : vector<16xf32>
      %add3A_588 = arith.addf %scan3A_584#2, %scan3A_584#6 : vector<16xf32>
      %add3A_589 = arith.addf %scan3A_584#3, %scan3A_584#7 : vector<16xf32>
      %swap3A_590 = arith.constant 6 : i32
      %swap3A_591 = arith.index_cast %swap3A_590 : i32 to index
      %swap3A_592 = arith.constant 0 : index
      %swap3A_593 = tpu.vector_load %arg21[%swap3A_591, %swap3A_592] {strides = array<i32>} : memref<8x64xf32, #tpu.memory_space<vmem>>, vector<1x16xf32>,
      %swap3A_594 = vector.shape_cast %swap3A_593 : vector<1x16xf32> to vector<16xf32>
      %swap3A_595 = vector.shape_cast %add3A_586 : vector<16xf32> to vector<1x16xf32>
      tpu.vector_store %arg21[%swap3A_591, %swap3A_592], %swap3A_595 {strides = array<i32>} : memref<8x64xf32, #tpu.memory_space<vmem>>, vector<1x16xf32>,
      %swap3A_596 = arith.constant 6 : i32
      %swap3A_597 = arith.index_cast %swap3A_596 : i32 to index
      %swap3A_598 = arith.constant 16 : index
      %swap3A_599 = tpu.vector_load %arg21[%swap3A_597, %swap3A_598] {strides = array<i32>} : memref<8x64xf32, #tpu.memory_space<vmem>>, vector<1x16xf32>,
      %swap3A_600 = vector.shape_cast %swap3A_599 : vector<1x16xf32> to vector<16xf32>
      %swap3A_601 = vector.shape_cast %add3A_587 : vector<16xf32> to vector<1x16xf32>
      tpu.vector_store %arg21[%swap3A_597, %swap3A_598], %swap3A_601 {strides = array<i32>} : memref<8x64xf32, #tpu.memory_space<vmem>>, vector<1x16xf32>,
      %swap3A_602 = arith.constant 6 : i32
      %swap3A_603 = arith.index_cast %swap3A_602 : i32 to index
      %swap3A_604 = arith.constant 32 : index
      %swap3A_605 = tpu.vector_load %arg21[%swap3A_603, %swap3A_604] {strides = array<i32>} : memref<8x64xf32, #tpu.memory_space<vmem>>, vector<1x16xf32>,
      %swap3A_606 = vector.shape_cast %swap3A_605 : vector<1x16xf32> to vector<16xf32>
      %swap3A_607 = vector.shape_cast %add3A_588 : vector<16xf32> to vector<1x16xf32>
      tpu.vector_store %arg21[%swap3A_603, %swap3A_604], %swap3A_607 {strides = array<i32>} : memref<8x64xf32, #tpu.memory_space<vmem>>, vector<1x16xf32>,
      %swap3A_608 = arith.constant 6 : i32
      %swap3A_609 = arith.index_cast %swap3A_608 : i32 to index
      %swap3A_610 = arith.constant 48 : index
      %swap3A_611 = tpu.vector_load %arg21[%swap3A_609, %swap3A_610] {strides = array<i32>} : memref<8x64xf32, #tpu.memory_space<vmem>>, vector<1x16xf32>,
      %swap3A_612 = vector.shape_cast %swap3A_611 : vector<1x16xf32> to vector<16xf32>
      %swap3A_613 = vector.shape_cast %add3A_589 : vector<16xf32> to vector<1x16xf32>
      tpu.vector_store %arg21[%swap3A_609, %swap3A_610], %swap3A_613 {strides = array<i32>} : memref<8x64xf32, #tpu.memory_space<vmem>>, vector<1x16xf32>,
      %dma_wait3A_614 = arith.constant 0 : i32
      %dma_wait3A_615 = tpu.memref_slice %arg2[%dma_wait3A_614] : memref<3276800xi32, #tpu.memory_space<hbm>> -> memref<200xi32, #tpu.memory_space<hbm>>
      %dma_wait3A_616 = arith.constant 0 : i32
      %dma_wait3A_617 = tpu.memref_slice %arg2[%dma_wait3A_616] : memref<3276800xi32, #tpu.memory_space<hbm>> -> memref<200xi32, #tpu.memory_space<hbm>>
      tpu.wait_dma2 semaphore(%arg28 : memref<!tpu.dma_semaphore, #tpu.memory_space<semaphore_mem>>) src(%dma_wait3A_617 : memref<200xi32, #tpu.memory_space<hbm>>) dst(%arg11 : memref<200xi32, #tpu.memory_space<vmem>>)
      %dma_start3A_618 = arith.constant 0 : i32
      %dma_start3A_619 = arith.constant 0 : i32
      %dma_start3A_620 = tpu.memref_slice %arg3[%dma_start3A_618, %dma_start3A_619] : memref<1000000x64xf32, #tpu.memory_space<hbm>> -> memref<1000000x64xf32, #tpu.memory_space<hbm>>
      tpu.enqueue_indirect_dma source(%dma_start3A_620 : memref<1000000x64xf32, #tpu.memory_space<hbm>>) target(%arg19 : memref<200x64xf32, #tpu.memory_space<vmem>>) offsets(%arg11 : memref<200xi32, #tpu.memory_space<vmem>>) semaphore(%arg36 : memref<!tpu.dma_semaphore, #tpu.memory_space<semaphore_mem>>)
      %dma_wait3A_621 = arith.constant 0 : i32
      %dma_wait3A_622 = arith.constant 0 : i32
      %dma_wait3A_623 = tpu.memref_slice %arg3[%dma_wait3A_621, %dma_wait3A_622] : memref<1000000x64xf32, #tpu.memory_space<hbm>> -> memref<1000000x64xf32, #tpu.memory_space<hbm>>
      tpu.wait_indirect_dma semaphore(%arg37 : memref<!tpu.dma_semaphore, #tpu.memory_space<semaphore_mem>>) src(%dma_wait3A_623 : memref<1000000x64xf32, #tpu.memory_space<hbm>>) dst(%arg20 : memref<200x64xf32, #tpu.memory_space<vmem>>)
      %add3A_624 = arith.constant 8 : i32
      %add3A_625 = arith.addi %add3A_140, %add3A_624 : i32
      %add3A_626 = arith.constant 7 : i32
      %add3A_627 = arith.addi %add3A_625, %add3A_626 : i32
      %min3A_628 = arith.minsi %add3A_627, %sub3A_5 : i32
      %mul3A_629 = arith.constant 200 : i32
      %mul3A_630 = arith.muli %min3A_628, %mul3A_629 : i32
      %dma_start3A_631 = tpu.memref_slice %arg2[%mul3A_630] : memref<3276800xi32, #tpu.memory_space<hbm>> -> memref<200xi32, #tpu.memory_space<hbm>>
      %dma_start3A_632 = tpu.memref_slice %arg2[%mul3A_630] : memref<3276800xi32, #tpu.memory_space<hbm>> -> memref<200xi32, #tpu.memory_space<hbm>>
      tpu.enqueue_dma source(%dma_start3A_632 : memref<200xi32, #tpu.memory_space<hbm>>) target(%arg12 : memref<200xi32, #tpu.memory_space<vmem>>) target_semaphore(%arg29 : memref<!tpu.dma_semaphore, #tpu.memory_space<semaphore_mem>>)
      %broadcast_in_dim3A_633 = arith.constant 0.000000e+00 : f32
      %broadcast_in_dim3A_634 = vector.broadcast %broadcast_in_dim3A_633 : f32 to vector<16xf32>
      %broadcast_in_dim3A_635 = arith.constant 0.000000e+00 : f32
      %broadcast_in_dim3A_636 = vector.broadcast %broadcast_in_dim3A_635 : f32 to vector<16xf32>
      %broadcast_in_dim3A_637 = arith.constant 0.000000e+00 : f32
      %broadcast_in_dim3A_638 = vector.broadcast %broadcast_in_dim3A_637 : f32 to vector<16xf32>
      %broadcast_in_dim3A_639 = arith.constant 0.000000e+00 : f32
      %broadcast_in_dim3A_640 = vector.broadcast %broadcast_in_dim3A_639 : f32 to vector<16xf32>
      %broadcast_in_dim3A_641 = arith.constant 0.000000e+00 : f32
      %broadcast_in_dim3A_642 = vector.broadcast %broadcast_in_dim3A_641 : f32 to vector<16xf32>
      %broadcast_in_dim3A_643 = arith.constant 0.000000e+00 : f32
      %broadcast_in_dim3A_644 = vector.broadcast %broadcast_in_dim3A_643 : f32 to vector<16xf32>
      %broadcast_in_dim3A_645 = arith.constant 0.000000e+00 : f32
      %broadcast_in_dim3A_646 = vector.broadcast %broadcast_in_dim3A_645 : f32 to vector<16xf32>
      %broadcast_in_dim3A_647 = arith.constant 0.000000e+00 : f32
      %broadcast_in_dim3A_648 = vector.broadcast %broadcast_in_dim3A_647 : f32 to vector<16xf32>
      %scan3A_649 = arith.constant 0 : i32
      %scan3A_650 = arith.constant 100 : i32
      %scan3A_651 = arith.addi %scan3A_649, %scan3A_650 : i32
      %scan3A_652 = arith.constant 1 : i32
      %scan3A_653:8 = scf.for %scan3A_690 = %scan3A_649 to %scan3A_651 step %scan3A_652 iter_args(%scan3A_691 = %broadcast_in_dim3A_634, %scan3A_692 = %broadcast_in_dim3A_636, %scan3A_693 = %broadcast_in_dim3A_638, %scan3A_694 = %broadcast_in_dim3A_640, %scan3A_695 = %broadcast_in_dim3A_642, %scan3A_696 = %broadcast_in_dim3A_644, %scan3A_697 = %broadcast_in_dim3A_646, %scan3A_698 = %broadcast_in_dim3A_648) -> (vector<16xf32>, vector<16xf32>, vector<16xf32>, vector<16xf32>, vector<16xf32>, vector<16xf32>, vector<16xf32>, vector<16xf32>)  : i32 {
        %mul3A_699 = arith.constant 2 : i32
        %mul3A_700 = arith.muli %mul3A_699, %scan3A_690 : i32
        %get3A = arith.index_cast %mul3A_700 : i32 to index
        %get3A_701 = arith.constant 0 : index
        %get3A_702 = tpu.vector_load %arg20[%get3A, %get3A_701] {strides = array<i32>} : memref<200x64xf32, #tpu.memory_space<vmem>>, vector<1x16xf32>,
        %get3A_703 = vector.shape_cast %get3A_702 : vector<1x16xf32> to vector<16xf32>
        %add3A_704 = arith.addf %scan3A_691, %get3A_703 : vector<16xf32>
        %mul3A_705 = arith.constant 2 : i32
        %mul3A_706 = arith.muli %mul3A_705, %scan3A_690 : i32
        %get3A_707 = arith.index_cast %mul3A_706 : i32 to index
        %get3A_708 = arith.constant 16 : index
        %get3A_709 = tpu.vector_load %arg20[%get3A_707, %get3A_708] {strides = array<i32>} : memref<200x64xf32, #tpu.memory_space<vmem>>, vector<1x16xf32>,
        %get3A_710 = vector.shape_cast %get3A_709 : vector<1x16xf32> to vector<16xf32>
        %add3A_711 = arith.addf %scan3A_692, %get3A_710 : vector<16xf32>
        %mul3A_712 = arith.constant 2 : i32
        %mul3A_713 = arith.muli %mul3A_712, %scan3A_690 : i32
        %get3A_714 = arith.index_cast %mul3A_713 : i32 to index
        %get3A_715 = arith.constant 32 : index
        %get3A_716 = tpu.vector_load %arg20[%get3A_714, %get3A_715] {strides = array<i32>} : memref<200x64xf32, #tpu.memory_space<vmem>>, vector<1x16xf32>,
        %get3A_717 = vector.shape_cast %get3A_716 : vector<1x16xf32> to vector<16xf32>
        %add3A_718 = arith.addf %scan3A_693, %get3A_717 : vector<16xf32>
        %mul3A_719 = arith.constant 2 : i32
        %mul3A_720 = arith.muli %mul3A_719, %scan3A_690 : i32
        %get3A_721 = arith.index_cast %mul3A_720 : i32 to index
        %get3A_722 = arith.constant 48 : index
        %get3A_723 = tpu.vector_load %arg20[%get3A_721, %get3A_722] {strides = array<i32>} : memref<200x64xf32, #tpu.memory_space<vmem>>, vector<1x16xf32>,
        %get3A_724 = vector.shape_cast %get3A_723 : vector<1x16xf32> to vector<16xf32>
        %add3A_725 = arith.addf %scan3A_694, %get3A_724 : vector<16xf32>
        %mul3A_726 = arith.constant 2 : i32
        %mul3A_727 = arith.muli %mul3A_726, %scan3A_690 : i32
        %add3A_728 = arith.constant 1 : i32
        %add3A_729 = arith.addi %mul3A_727, %add3A_728 : i32
        %get3A_730 = arith.index_cast %add3A_729 : i32 to index
        %get3A_731 = arith.constant 0 : index
        %get3A_732 = tpu.vector_load %arg20[%get3A_730, %get3A_731] {strides = array<i32>} : memref<200x64xf32, #tpu.memory_space<vmem>>, vector<1x16xf32>,
        %get3A_733 = vector.shape_cast %get3A_732 : vector<1x16xf32> to vector<16xf32>
        %add3A_734 = arith.addf %scan3A_695, %get3A_733 : vector<16xf32>
        %mul3A_735 = arith.constant 2 : i32
        %mul3A_736 = arith.muli %mul3A_735, %scan3A_690 : i32
        %add3A_737 = arith.constant 1 : i32
        %add3A_738 = arith.addi %mul3A_736, %add3A_737 : i32
        %get3A_739 = arith.index_cast %add3A_738 : i32 to index
        %get3A_740 = arith.constant 16 : index
        %get3A_741 = tpu.vector_load %arg20[%get3A_739, %get3A_740] {strides = array<i32>} : memref<200x64xf32, #tpu.memory_space<vmem>>, vector<1x16xf32>,
        %get3A_742 = vector.shape_cast %get3A_741 : vector<1x16xf32> to vector<16xf32>
        %add3A_743 = arith.addf %scan3A_696, %get3A_742 : vector<16xf32>
        %mul3A_744 = arith.constant 2 : i32
        %mul3A_745 = arith.muli %mul3A_744, %scan3A_690 : i32
        %add3A_746 = arith.constant 1 : i32
        %add3A_747 = arith.addi %mul3A_745, %add3A_746 : i32
        %get3A_748 = arith.index_cast %add3A_747 : i32 to index
        %get3A_749 = arith.constant 32 : index
        %get3A_750 = tpu.vector_load %arg20[%get3A_748, %get3A_749] {strides = array<i32>} : memref<200x64xf32, #tpu.memory_space<vmem>>, vector<1x16xf32>,
        %get3A_751 = vector.shape_cast %get3A_750 : vector<1x16xf32> to vector<16xf32>
        %add3A_752 = arith.addf %scan3A_697, %get3A_751 : vector<16xf32>
        %mul3A_753 = arith.constant 2 : i32
        %mul3A_754 = arith.muli %mul3A_753, %scan3A_690 : i32
        %add3A_755 = arith.constant 1 : i32
        %add3A_756 = arith.addi %mul3A_754, %add3A_755 : i32
        %get3A_757 = arith.index_cast %add3A_756 : i32 to index
        %get3A_758 = arith.constant 48 : index
        %get3A_759 = tpu.vector_load %arg20[%get3A_757, %get3A_758] {strides = array<i32>} : memref<200x64xf32, #tpu.memory_space<vmem>>, vector<1x16xf32>,
        %get3A_760 = vector.shape_cast %get3A_759 : vector<1x16xf32> to vector<16xf32>
        %add3A_761 = arith.addf %scan3A_698, %get3A_760 : vector<16xf32>
        scf.yield %add3A_704, %add3A_711, %add3A_718, %add3A_725, %add3A_734, %add3A_743, %add3A_752, %add3A_761 : vector<16xf32>, vector<16xf32>, vector<16xf32>, vector<16xf32>, vector<16xf32>, vector<16xf32>, vector<16xf32>, vector<16xf32>
      }
      %scan3A_654 = arith.constant 100 : i32
      %add3A_655 = arith.addf %scan3A_653#0, %scan3A_653#4 : vector<16xf32>
      %add3A_656 = arith.addf %scan3A_653#1, %scan3A_653#5 : vector<16xf32>
      %add3A_657 = arith.addf %scan3A_653#2, %scan3A_653#6 : vector<16xf32>
      %add3A_658 = arith.addf %scan3A_653#3, %scan3A_653#7 : vector<16xf32>
      %swap3A_659 = arith.constant 7 : i32
      %swap3A_660 = arith.index_cast %swap3A_659 : i32 to index
      %swap3A_661 = arith.constant 0 : index
      %swap3A_662 = tpu.vector_load %arg21[%swap3A_660, %swap3A_661] {strides = array<i32>} : memref<8x64xf32, #tpu.memory_space<vmem>>, vector<1x16xf32>,
      %swap3A_663 = vector.shape_cast %swap3A_662 : vector<1x16xf32> to vector<16xf32>
      %swap3A_664 = vector.shape_cast %add3A_655 : vector<16xf32> to vector<1x16xf32>
      tpu.vector_store %arg21[%swap3A_660, %swap3A_661], %swap3A_664 {strides = array<i32>} : memref<8x64xf32, #tpu.memory_space<vmem>>, vector<1x16xf32>,
      %swap3A_665 = arith.constant 7 : i32
      %swap3A_666 = arith.index_cast %swap3A_665 : i32 to index
      %swap3A_667 = arith.constant 16 : index
      %swap3A_668 = tpu.vector_load %arg21[%swap3A_666, %swap3A_667] {strides = array<i32>} : memref<8x64xf32, #tpu.memory_space<vmem>>, vector<1x16xf32>,
      %swap3A_669 = vector.shape_cast %swap3A_668 : vector<1x16xf32> to vector<16xf32>
      %swap3A_670 = vector.shape_cast %add3A_656 : vector<16xf32> to vector<1x16xf32>
      tpu.vector_store %arg21[%swap3A_666, %swap3A_667], %swap3A_670 {strides = array<i32>} : memref<8x64xf32, #tpu.memory_space<vmem>>, vector<1x16xf32>,
      %swap3A_671 = arith.constant 7 : i32
      %swap3A_672 = arith.index_cast %swap3A_671 : i32 to index
      %swap3A_673 = arith.constant 32 : index
      %swap3A_674 = tpu.vector_load %arg21[%swap3A_672, %swap3A_673] {strides = array<i32>} : memref<8x64xf32, #tpu.memory_space<vmem>>, vector<1x16xf32>,
      %swap3A_675 = vector.shape_cast %swap3A_674 : vector<1x16xf32> to vector<16xf32>
      %swap3A_676 = vector.shape_cast %add3A_657 : vector<16xf32> to vector<1x16xf32>
      tpu.vector_store %arg21[%swap3A_672, %swap3A_673], %swap3A_676 {strides = array<i32>} : memref<8x64xf32, #tpu.memory_space<vmem>>, vector<1x16xf32>,
      %swap3A_677 = arith.constant 7 : i32
      %swap3A_678 = arith.index_cast %swap3A_677 : i32 to index
      %swap3A_679 = arith.constant 48 : index
      %swap3A_680 = tpu.vector_load %arg21[%swap3A_678, %swap3A_679] {strides = array<i32>} : memref<8x64xf32, #tpu.memory_space<vmem>>, vector<1x16xf32>,
      %swap3A_681 = vector.shape_cast %swap3A_680 : vector<1x16xf32> to vector<16xf32>
      %swap3A_682 = vector.shape_cast %add3A_658 : vector<16xf32> to vector<1x16xf32>
      tpu.vector_store %arg21[%swap3A_678, %swap3A_679], %swap3A_682 {strides = array<i32>} : memref<8x64xf32, #tpu.memory_space<vmem>>, vector<1x16xf32>,
      %dma_wait3A_683 = arith.constant 0 : i32
      %dma_wait3A_684 = tpu.memref_slice %arg2[%dma_wait3A_683] : memref<3276800xi32, #tpu.memory_space<hbm>> -> memref<200xi32, #tpu.memory_space<hbm>>
      %dma_wait3A_685 = arith.constant 0 : i32
      %dma_wait3A_686 = tpu.memref_slice %arg2[%dma_wait3A_685] : memref<3276800xi32, #tpu.memory_space<hbm>> -> memref<200xi32, #tpu.memory_space<hbm>>
      tpu.wait_dma2 semaphore(%arg29 : memref<!tpu.dma_semaphore, #tpu.memory_space<semaphore_mem>>) src(%dma_wait3A_686 : memref<200xi32, #tpu.memory_space<hbm>>) dst(%arg12 : memref<200xi32, #tpu.memory_space<vmem>>)
      %dma_start3A_687 = arith.constant 0 : i32
      %dma_start3A_688 = arith.constant 0 : i32
      %dma_start3A_689 = tpu.memref_slice %arg3[%dma_start3A_687, %dma_start3A_688] : memref<1000000x64xf32, #tpu.memory_space<hbm>> -> memref<1000000x64xf32, #tpu.memory_space<hbm>>
      tpu.enqueue_indirect_dma source(%dma_start3A_689 : memref<1000000x64xf32, #tpu.memory_space<hbm>>) target(%arg20 : memref<200x64xf32, #tpu.memory_space<vmem>>) offsets(%arg12 : memref<200xi32, #tpu.memory_space<vmem>>) semaphore(%arg37 : memref<!tpu.dma_semaphore, #tpu.memory_space<semaphore_mem>>)
      "tpu.region"() ({
        %run_scoped3A = tpu.sem_alloc : memref<!tpu.dma_semaphore, #tpu.memory_space<semaphore_mem>>
        %dma_start3A_690 = arith.constant 0 : i32
        %dma_start3A_691 = tpu.memref_slice %arg4[%add3A_140, %dma_start3A_690] : memref<16384x64xf32, #tpu.memory_space<hbm>> -> memref<8x64xf32, #tpu.memory_space<hbm>>
        %dma_start3A_692 = arith.constant 0 : i32
        %dma_start3A_693 = tpu.memref_slice %arg4[%add3A_140, %dma_start3A_692] : memref<16384x64xf32, #tpu.memory_space<hbm>> -> memref<8x64xf32, #tpu.memory_space<hbm>>
        tpu.enqueue_dma source(%arg21 : memref<8x64xf32, #tpu.memory_space<vmem>>) target(%dma_start3A_693 : memref<8x64xf32, #tpu.memory_space<hbm>>) target_semaphore(%run_scoped3A : memref<!tpu.dma_semaphore, #tpu.memory_space<semaphore_mem>>)
        %dma_wait3A_694 = arith.constant 0 : i32
        %dma_wait3A_695 = tpu.memref_slice %arg4[%add3A_140, %dma_wait3A_694] : memref<16384x64xf32, #tpu.memory_space<hbm>> -> memref<8x64xf32, #tpu.memory_space<hbm>>
        %dma_wait3A_696 = arith.constant 0 : i32
        %dma_wait3A_697 = tpu.memref_slice %arg4[%add3A_140, %dma_wait3A_696] : memref<16384x64xf32, #tpu.memory_space<hbm>> -> memref<8x64xf32, #tpu.memory_space<hbm>>
        tpu.wait_dma2 semaphore(%run_scoped3A : memref<!tpu.dma_semaphore, #tpu.memory_space<semaphore_mem>>) src(%arg21 : memref<8x64xf32, #tpu.memory_space<vmem>>) dst(%dma_wait3A_697 : memref<8x64xf32, #tpu.memory_space<hbm>>)
        tpu.yield
      }) : () -> ()
    }
    %scan3A_112 = arith.constant 64 : i32
    %dma_wait3A_113 = arith.constant 0 : i32
    %dma_wait3A_114 = arith.constant 0 : i32
    %dma_wait3A_115 = tpu.memref_slice %arg3[%dma_wait3A_113, %dma_wait3A_114] : memref<1000000x64xf32, #tpu.memory_space<hbm>> -> memref<1000000x64xf32, #tpu.memory_space<hbm>>
    tpu.wait_indirect_dma semaphore(%arg30 : memref<!tpu.dma_semaphore, #tpu.memory_space<semaphore_mem>>) src(%dma_wait3A_115 : memref<1000000x64xf32, #tpu.memory_space<hbm>>) dst(%arg13 : memref<200x64xf32, #tpu.memory_space<vmem>>)
    %dma_wait3A_116 = arith.constant 0 : i32
    %dma_wait3A_117 = arith.constant 0 : i32
    %dma_wait3A_118 = tpu.memref_slice %arg3[%dma_wait3A_116, %dma_wait3A_117] : memref<1000000x64xf32, #tpu.memory_space<hbm>> -> memref<1000000x64xf32, #tpu.memory_space<hbm>>
    tpu.wait_indirect_dma semaphore(%arg31 : memref<!tpu.dma_semaphore, #tpu.memory_space<semaphore_mem>>) src(%dma_wait3A_118 : memref<1000000x64xf32, #tpu.memory_space<hbm>>) dst(%arg14 : memref<200x64xf32, #tpu.memory_space<vmem>>)
    %dma_wait3A_119 = arith.constant 0 : i32
    %dma_wait3A_120 = arith.constant 0 : i32
    %dma_wait3A_121 = tpu.memref_slice %arg3[%dma_wait3A_119, %dma_wait3A_120] : memref<1000000x64xf32, #tpu.memory_space<hbm>> -> memref<1000000x64xf32, #tpu.memory_space<hbm>>
    tpu.wait_indirect_dma semaphore(%arg32 : memref<!tpu.dma_semaphore, #tpu.memory_space<semaphore_mem>>) src(%dma_wait3A_121 : memref<1000000x64xf32, #tpu.memory_space<hbm>>) dst(%arg15 : memref<200x64xf32, #tpu.memory_space<vmem>>)
    %dma_wait3A_122 = arith.constant 0 : i32
    %dma_wait3A_123 = arith.constant 0 : i32
    %dma_wait3A_124 = tpu.memref_slice %arg3[%dma_wait3A_122, %dma_wait3A_123] : memref<1000000x64xf32, #tpu.memory_space<hbm>> -> memref<1000000x64xf32, #tpu.memory_space<hbm>>
    tpu.wait_indirect_dma semaphore(%arg33 : memref<!tpu.dma_semaphore, #tpu.memory_space<semaphore_mem>>) src(%dma_wait3A_124 : memref<1000000x64xf32, #tpu.memory_space<hbm>>) dst(%arg16 : memref<200x64xf32, #tpu.memory_space<vmem>>)
    %dma_wait3A_125 = arith.constant 0 : i32
    %dma_wait3A_126 = arith.constant 0 : i32
    %dma_wait3A_127 = tpu.memref_slice %arg3[%dma_wait3A_125, %dma_wait3A_126] : memref<1000000x64xf32, #tpu.memory_space<hbm>> -> memref<1000000x64xf32, #tpu.memory_space<hbm>>
    tpu.wait_indirect_dma semaphore(%arg34 : memref<!tpu.dma_semaphore, #tpu.memory_space<semaphore_mem>>) src(%dma_wait3A_127 : memref<1000000x64xf32, #tpu.memory_space<hbm>>) dst(%arg17 : memref<200x64xf32, #tpu.memory_space<vmem>>)
    %dma_wait3A_128 = arith.constant 0 : i32
    %dma_wait3A_129 = arith.constant 0 : i32
    %dma_wait3A_130 = tpu.memref_slice %arg3[%dma_wait3A_128, %dma_wait3A_129] : memref<1000000x64xf32, #tpu.memory_space<hbm>> -> memref<1000000x64xf32, #tpu.memory_space<hbm>>
    tpu.wait_indirect_dma semaphore(%arg35 : memref<!tpu.dma_semaphore, #tpu.memory_space<semaphore_mem>>) src(%dma_wait3A_130 : memref<1000000x64xf32, #tpu.memory_space<hbm>>) dst(%arg18 : memref<200x64xf32, #tpu.memory_space<vmem>>)
    %dma_wait3A_131 = arith.constant 0 : i32
    %dma_wait3A_132 = arith.constant 0 : i32
    %dma_wait3A_133 = tpu.memref_slice %arg3[%dma_wait3A_131, %dma_wait3A_132] : memref<1000000x64xf32, #tpu.memory_space<hbm>> -> memref<1000000x64xf32, #tpu.memory_space<hbm>>
    tpu.wait_indirect_dma semaphore(%arg36 : memref<!tpu.dma_semaphore, #tpu.memory_space<semaphore_mem>>) src(%dma_wait3A_133 : memref<1000000x64xf32, #tpu.memory_space<hbm>>) dst(%arg19 : memref<200x64xf32, #tpu.memory_space<vmem>>)
    %dma_wait3A_134 = arith.constant 0 : i32
    %dma_wait3A_135 = arith.constant 0 : i32
    %dma_wait3A_136 = tpu.memref_slice %arg3[%dma_wait3A_134, %dma_wait3A_135] : memref<1000000x64xf32, #tpu.memory_space<hbm>> -> memref<1000000x64xf32, #tpu.memory_space<hbm>>
    tpu.wait_indirect_dma semaphore(%arg37 : memref<!tpu.dma_semaphore, #tpu.memory_space<semaphore_mem>>) src(%dma_wait3A_136 : memref<1000000x64xf32, #tpu.memory_space<hbm>>) dst(%arg20 : memref<200x64xf32, #tpu.memory_space<vmem>>)
    return
  }
}

module attributes {stable_mosaic.version = 14 : i64} {
  func.func @_tr_tc_body(%arg0: i32, %arg1: memref<64x16384xf32, #tpu.memory_space<vmem>>, %arg2: memref<8192x128xf32, #tpu.memory_space<vmem>>) attributes {dimension_semantics = [#tpu.dimension_semantics<arbitrary>], iteration_bounds = array<i64: 61>, scalar_prefetch = 0 : i64, scratch_operands = 0 : i64, tpu.core_type = #tpu.core_type<tc>, window_params = [{transform_indices = @transform_0, window_bounds = array<i64: 64, 16384>}, {transform_indices = @transform_1, window_bounds = array<i64: 8192, 128>}]} {
    %get3A = arith.constant 0 : index
    %get3A_0 = arith.constant 0 : index
    %get3A_1 = vector.load %arg1[%get3A, %get3A_0] : memref<64x16384xf32, #tpu.memory_space<vmem>>, vector<64x16384xf32>
    %iota3A = tpu.iota {dimensions = array<i32: 0>} : vector<64x64xi32>
    %iota3A_2 = tpu.iota {dimensions = array<i32: 1>} : vector<64x64xi32>
    %add3A = arith.constant 0 : i32
    %add3A_3 = vector.broadcast %add3A : i32 to vector<64x64xi32>
    %add3A_4 = arith.addi %iota3A, %add3A_3 : vector<64x64xi32>
    %eq3A = arith.cmpi eq, %add3A_4, %iota3A_2 : vector<64x64xi32>
    %convert_element_type3A = arith.extui %eq3A : vector<64x64xi1> to vector<64x64xi32>
    %convert_element_type3A_5 = arith.sitofp %convert_element_type3A : vector<64x64xi32> to vector<64x64xf32>
    %dot_general3A = arith.constant dense<0.000000e+00> : vector<16384x64xf32>
    %dot_general3A_6 = tpu.matmul %get3A_1, %convert_element_type3A_5, %dot_general3A {dimension_numbers = #tpu.dot_dimension_numbers<[0], [0], [1], [1], [0, 1, 1, 1], [], []>, transpose_lhs_hint = false} : vector<64x16384xf32>, vector<64x64xf32>, vector<16384x64xf32> -> vector<16384x64xf32>
    %slice3A = vector.extract_strided_slice %dot_general3A_6 {offsets = [0, 0], sizes = [8192, 64], strides = [1, 1]} : vector<16384x64xf32> to vector<8192x64xf32>
    %slice3A_7 = vector.extract_strided_slice %dot_general3A_6 {offsets = [8192, 0], sizes = [8192, 64], strides = [1, 1]} : vector<16384x64xf32> to vector<8192x64xf32>
    %concatenate3A = tpu.concatenate %slice3A, %slice3A_7 in 1 : vector<8192x64xf32>, vector<8192x64xf32> -> vector<8192x128xf32>
    %swap3A = arith.constant 0 : index
    %swap3A_8 = arith.constant 0 : index
    %swap3A_9 = vector.load %arg2[%swap3A, %swap3A_8] : memref<8192x128xf32, #tpu.memory_space<vmem>>, vector<8192x128xf32>
    tpu.vector_store %arg2[%swap3A, %swap3A_8], %concatenate3A {strides = array<i32>} : memref<8192x128xf32, #tpu.memory_space<vmem>>, vector<8192x128xf32>,
    return
  }
  func.func @transform_0(%arg0: i32) -> (i32, i32) {
    %c0_i32 = arith.constant 0 : i32
    %c0_i32_0 = arith.constant 0 : i32
    return %c0_i32, %arg0 : i32, i32
  }
  func.func @transform_1(%arg0: i32) -> (i32, i32) {
    %c0_i32 = arith.constant 0 : i32
    %c0_i32_0 = arith.constant 0 : i32
    return %arg0, %c0_i32 : i32, i32
  }
}

module attributes {stable_mosaic.version = 14 : i64} {
  func.func @_mlp_body(%arg0: i32, %arg1: memref<1024x64xf32, #tpu.memory_space<vmem>>, %arg2: memref<1024x200xi32, #tpu.memory_space<vmem>>, %arg3: memref<1x64xf32, #tpu.memory_space<vmem>>, %arg4: memref<64x64xf32, #tpu.memory_space<vmem>>, %arg5: memref<1x64xf32, #tpu.memory_space<vmem>>, %arg6: memref<64x32xf32, #tpu.memory_space<vmem>>, %arg7: memref<1x32xf32, #tpu.memory_space<vmem>>, %arg8: memref<1x32xf32, #tpu.memory_space<vmem>>, %arg9: memref<1x1xf32, #tpu.memory_space<vmem>>, %arg10: memref<1024x1xf32, #tpu.memory_space<vmem>>) attributes {dimension_semantics = [#tpu.dimension_semantics<arbitrary>], iteration_bounds = array<i64: 16>, scalar_prefetch = 0 : i64, scratch_operands = 0 : i64, tpu.core_type = #tpu.core_type<tc>, window_params = [{transform_indices = @transform_0, window_bounds = array<i64: 1024, 64>}, {transform_indices = @transform_1, window_bounds = array<i64: 1024, 200>}, {pipeline_mode = #tpu.pipeline_mode<synchronous>, transform_indices = @transform_2, window_bounds = array<i64: 1, 64>}, {pipeline_mode = #tpu.pipeline_mode<synchronous>, transform_indices = @transform_3, window_bounds = array<i64: 64, 64>}, {pipeline_mode = #tpu.pipeline_mode<synchronous>, transform_indices = @transform_4, window_bounds = array<i64: 1, 64>}, {pipeline_mode = #tpu.pipeline_mode<synchronous>, transform_indices = @transform_5, window_bounds = array<i64: 64, 32>}, {pipeline_mode = #tpu.pipeline_mode<synchronous>, transform_indices = @transform_6, window_bounds = array<i64: 1, 32>}, {pipeline_mode = #tpu.pipeline_mode<synchronous>, transform_indices = @transform_7, window_bounds = array<i64: 1, 32>}, {pipeline_mode = #tpu.pipeline_mode<synchronous>, transform_indices = @transform_8, window_bounds = array<i64: 1, 1>}, {transform_indices = @transform_9, window_bounds = array<i64: 1024, 1>}]} {
    %get3A = arith.constant 0 : index
    %get3A_0 = arith.constant 0 : index
    %get3A_1 = vector.load %arg2[%get3A, %get3A_0] : memref<1024x200xi32, #tpu.memory_space<vmem>>, vector<1024x200xi32>
    %eq3A = arith.constant 0 : i32
    %eq3A_2 = vector.broadcast %eq3A : i32 to vector<1024x200xi32>
    %eq3A_3 = arith.cmpi eq, %get3A_1, %eq3A_2 : vector<1024x200xi32>
    %convert_element_type3A = arith.extui %eq3A_3 : vector<1024x200xi1> to vector<1024x200xi32>
    %convert_element_type3A_4 = arith.sitofp %convert_element_type3A : vector<1024x200xi32> to vector<1024x200xf32>
    %reduce_sum3A = arith.constant dense<0.000000e+00> : vector<1024xf32>
    %reduce_sum3A_5 = vector.multi_reduction <add>, %convert_element_type3A_4, %reduce_sum3A [1] : vector<1024x200xf32> to vector<1024xf32>
    %broadcast_in_dim3A = vector.shape_cast %reduce_sum3A_5 : vector<1024xf32> to vector<1024x1xf32>
    %get3A_6 = arith.constant 0 : index
    %get3A_7 = arith.constant 0 : index
    %get3A_8 = vector.load %arg1[%get3A_6, %get3A_7] : memref<1024x64xf32, #tpu.memory_space<vmem>>, vector<1024x64xf32>
    %get3A_9 = arith.constant 0 : index
    %get3A_10 = arith.constant 0 : index
    %get3A_11 = vector.load %arg3[%get3A_9, %get3A_10] : memref<1x64xf32, #tpu.memory_space<vmem>>, vector<1x64xf32>
    %mul3A = vector.broadcast %broadcast_in_dim3A : vector<1024x1xf32> to vector<1024x64xf32>
    %mul3A_12 = vector.broadcast %get3A_11 : vector<1x64xf32> to vector<1024x64xf32>
    %mul3A_13 = arith.mulf %mul3A, %mul3A_12 : vector<1024x64xf32>
    %sub3A = arith.subf %get3A_8, %mul3A_13 : vector<1024x64xf32>
    %mul3A_14 = arith.constant 5.000000e-03 : f32
    %mul3A_15 = vector.broadcast %mul3A_14 : f32 to vector<1024x64xf32>
    %mul3A_16 = arith.mulf %sub3A, %mul3A_15 : vector<1024x64xf32>
    %get3A_17 = arith.constant 0 : index
    %get3A_18 = arith.constant 0 : index
    %get3A_19 = vector.load %arg4[%get3A_17, %get3A_18] : memref<64x64xf32, #tpu.memory_space<vmem>>, vector<64x64xf32>
    %dot_general3A = arith.constant dense<0.000000e+00> : vector<1024x64xf32>
    %dot_general3A_20 = tpu.matmul %mul3A_16, %get3A_19, %dot_general3A {dimension_numbers = #tpu.dot_dimension_numbers<[1], [0], [0], [1], [0, 0, 1, 1], [], []>, transpose_lhs_hint = false} : vector<1024x64xf32>, vector<64x64xf32>, vector<1024x64xf32> -> vector<1024x64xf32>
    %get3A_21 = arith.constant 0 : index
    %get3A_22 = arith.constant 0 : index
    %get3A_23 = vector.load %arg5[%get3A_21, %get3A_22] : memref<1x64xf32, #tpu.memory_space<vmem>>, vector<1x64xf32>
    %add3A = vector.broadcast %get3A_23 : vector<1x64xf32> to vector<1024x64xf32>
    %add3A_24 = arith.addf %dot_general3A_20, %add3A : vector<1024x64xf32>
    %max3A = arith.constant 0.000000e+00 : f32
    %max3A_25 = vector.broadcast %max3A : f32 to vector<1024x64xf32>
    %max3A_26 = arith.maximumf %add3A_24, %max3A_25 : vector<1024x64xf32>
    %get3A_27 = arith.constant 0 : index
    %get3A_28 = arith.constant 0 : index
    %get3A_29 = vector.load %arg6[%get3A_27, %get3A_28] : memref<64x32xf32, #tpu.memory_space<vmem>>, vector<64x32xf32>
    %dot_general3A_30 = arith.constant dense<0.000000e+00> : vector<1024x32xf32>
    %dot_general3A_31 = tpu.matmul %max3A_26, %get3A_29, %dot_general3A_30 {dimension_numbers = #tpu.dot_dimension_numbers<[1], [0], [0], [1], [0, 0, 1, 1], [], []>, transpose_lhs_hint = false} : vector<1024x64xf32>, vector<64x32xf32>, vector<1024x32xf32> -> vector<1024x32xf32>
    %get3A_32 = arith.constant 0 : index
    %get3A_33 = arith.constant 0 : index
    %get3A_34 = vector.load %arg7[%get3A_32, %get3A_33] : memref<1x32xf32, #tpu.memory_space<vmem>>, vector<1x32xf32>
    %add3A_35 = vector.broadcast %get3A_34 : vector<1x32xf32> to vector<1024x32xf32>
    %add3A_36 = arith.addf %dot_general3A_31, %add3A_35 : vector<1024x32xf32>
    %max3A_37 = arith.constant 0.000000e+00 : f32
    %max3A_38 = vector.broadcast %max3A_37 : f32 to vector<1024x32xf32>
    %max3A_39 = arith.maximumf %add3A_36, %max3A_38 : vector<1024x32xf32>
    %get3A_40 = arith.constant 0 : index
    %get3A_41 = arith.constant 0 : index
    %get3A_42 = vector.load %arg8[%get3A_40, %get3A_41] : memref<1x32xf32, #tpu.memory_space<vmem>>, vector<1x32xf32>
    %mul3A_43 = vector.broadcast %get3A_42 : vector<1x32xf32> to vector<1024x32xf32>
    %mul3A_44 = arith.mulf %max3A_39, %mul3A_43 : vector<1024x32xf32>
    %reduce_sum3A_45 = arith.constant dense<0.000000e+00> : vector<1024xf32>
    %reduce_sum3A_46 = vector.multi_reduction <add>, %mul3A_44, %reduce_sum3A_45 [1] : vector<1024x32xf32> to vector<1024xf32>
    %broadcast_in_dim3A_47 = vector.shape_cast %reduce_sum3A_46 : vector<1024xf32> to vector<1024x1xf32>
    %get3A_48 = arith.constant 0 : index
    %get3A_49 = arith.constant 0 : index
    %get3A_50 = vector.load %arg9[%get3A_48, %get3A_49] : memref<1x1xf32, #tpu.memory_space<vmem>>, vector<1x1xf32>
    %add3A_51 = vector.broadcast %get3A_50 : vector<1x1xf32> to vector<1024x1xf32>
    %add3A_52 = arith.addf %broadcast_in_dim3A_47, %add3A_51 : vector<1024x1xf32>
    %logistic3A = arith.negf %add3A_52 : vector<1024x1xf32>
    %logistic3A_53 = math.exp %logistic3A : vector<1024x1xf32>
    %logistic3A_54 = arith.constant 1.000000e+00 : f32
    %logistic3A_55 = vector.broadcast %logistic3A_54 : f32 to vector<1024x1xf32>
    %logistic3A_56 = arith.addf %logistic3A_55, %logistic3A_53 : vector<1024x1xf32>
    %logistic3A_57 = arith.divf %logistic3A_55, %logistic3A_56 : vector<1024x1xf32>
    %swap3A = arith.constant 0 : index
    %swap3A_58 = arith.constant 0 : index
    %swap3A_59 = vector.load %arg10[%swap3A, %swap3A_58] : memref<1024x1xf32, #tpu.memory_space<vmem>>, vector<1024x1xf32>
    tpu.vector_store %arg10[%swap3A, %swap3A_58], %logistic3A_57 {strides = array<i32>} : memref<1024x1xf32, #tpu.memory_space<vmem>>, vector<1024x1xf32>,
    return
  }
  func.func @transform_0(%arg0: i32) -> (i32, i32) {
    %c0_i32 = arith.constant 0 : i32
    %c0_i32_0 = arith.constant 0 : i32
    return %arg0, %c0_i32 : i32, i32
  }
  func.func @transform_1(%arg0: i32) -> (i32, i32) {
    %c0_i32 = arith.constant 0 : i32
    %c0_i32_0 = arith.constant 0 : i32
    return %arg0, %c0_i32 : i32, i32
  }
  func.func @transform_2(%arg0: i32) -> (i32, i32) {
    %c0_i32 = arith.constant 0 : i32
    %c0_i32_0 = arith.constant 0 : i32
    %c0_i32_1 = arith.constant 0 : i32
    return %c0_i32, %c0_i32_0 : i32, i32
  }
  func.func @transform_3(%arg0: i32) -> (i32, i32) {
    %c0_i32 = arith.constant 0 : i32
    %c0_i32_0 = arith.constant 0 : i32
    %c0_i32_1 = arith.constant 0 : i32
    return %c0_i32, %c0_i32_0 : i32, i32
  }
  func.func @transform_4(%arg0: i32) -> (i32, i32) {
    %c0_i32 = arith.constant 0 : i32
    %c0_i32_0 = arith.constant 0 : i32
    %c0_i32_1 = arith.constant 0 : i32
    return %c0_i32, %c0_i32_0 : i32, i32
  }
  func.func @transform_5(%arg0: i32) -> (i32, i32) {
    %c0_i32 = arith.constant 0 : i32
    %c0_i32_0 = arith.constant 0 : i32
    %c0_i32_1 = arith.constant 0 : i32
    return %c0_i32, %c0_i32_0 : i32, i32
  }
  func.func @transform_6(%arg0: i32) -> (i32, i32) {
    %c0_i32 = arith.constant 0 : i32
    %c0_i32_0 = arith.constant 0 : i32
    %c0_i32_1 = arith.constant 0 : i32
    return %c0_i32, %c0_i32_0 : i32, i32
  }
  func.func @transform_7(%arg0: i32) -> (i32, i32) {
    %c0_i32 = arith.constant 0 : i32
    %c0_i32_0 = arith.constant 0 : i32
    %c0_i32_1 = arith.constant 0 : i32
    return %c0_i32, %c0_i32_0 : i32, i32
  }
  func.func @transform_8(%arg0: i32) -> (i32, i32) {
    %c0_i32 = arith.constant 0 : i32
    %c0_i32_0 = arith.constant 0 : i32
    %c0_i32_1 = arith.constant 0 : i32
    return %c0_i32, %c0_i32_0 : i32, i32
  }
  func.func @transform_9(%arg0: i32) -> (i32, i32) {
    %c0_i32 = arith.constant 0 : i32
    %c0_i32_0 = arith.constant 0 : i32
    return %arg0, %c0_i32 : i32, i32
  }
}

</mosaic_0001>

<sc_bundles>
// kernel: kernel.5.cloned.1.call-start
scs
__scs_entry_jumppad:
0x0: {  	(pc) =	sbr.rel $0x88, $3  }
0x1: {  	(tag) =	ssettag $0x0;
	lr =	simm.s32 $0x1  }
0x2: {  	[smem:$0x3F99] =	sst lr;
	_ =	strace $0xD0000000  }
0x3: {  	_ = 	snop  }
0x4: {  	_ = 	snop  }
0x5: {  	_ = 	snop  }
0x6: {  	_ = 	snop  }
0x7: {  	_ = 	snop  }
__scs_overlays_trampoline_lowered:
0x8: {  	[smem:$0x3FA8] =	sst s0  }
0x9: {  	[smem:$0x3FA9] =	sst s1  }
0xa: {  	[smem:$0x3FAA] =	sst s2  }
0xb: {  	[smem:$0x3FAB] =	sst s3  }
0xc: {  	[smem:$0x3FAC] =	sst s4  }
0xd: {  	[smem:$0x3FAD] =	sst s5  }
0xe: {  	[smem:$0x3FAE] =	sst s6  }
0xf: {  	[smem:$0x3FAF] =	sst s7  }
0x10: {  	[smem:$0x3FB0] =	sst s8  }
0x11: {  	[smem:$0x3FB1] =	sst s9;
	s0 =	simm.s32 @!p0 $0x0  }
0x12: {  	s1 =	sld [smem:$0x3F97];
	s0 =	simm.s32 @p0 $0x1  }
0x13: {  	[smem:$0x3FB2] =	sst s0;
	s0 =	simm.s32 @!p1 $0x0  }
0x14: {  	s2 =	sld [smem:$0x3F96];
	s0 =	simm.s32 @p1 $0x1  }
0x15: {  	[smem:$0x3FB3] =	sst s0;
	s0 =	simm.s32 @!p2 $0x0  }
0x16: {  	s3 =	sld [smem:$0x3FDB];
	s0 =	simm.s32 @p2 $0x1  }
0x17: {  	s4 =	simm.s32 $0x1BF5;
	[smem:$0x3FB5] =	sst s0  }
0x18: {  	s0 =	sld [smem:$0x3F98];
	_ =	swait.ge [sflag:s4], $0x0  }
0x19: {  	s7 =	sld [smem:$0x3F99]  }
0x1a: {  	s8 =	sadd.s32 $0xFFFFE003, lr  }
0x1b: {  	s9 =	sadd.s32 $0xFFFFFEF7, lr;
	s5 =	simm.s32 $0xFFFFFFFF;
	p2 =	slt.u32 s8, $0xFFFFF086  }
0x1c: {  	p1 =	slt.u32 s9, $0xF7A;
	s5 =	simm.s32 @!p2 $0x0  }
0x1d: {  	s5 =	simm.s32 @p1 $0x1;
	p0 =	seq.s32 s7, s2  }
0x1e: {  	s7 =	smul.u32 @!p0 $0xF7A, s2;
	p2 =	seq.s32 @!p0 s5, $0x0  }
0x1f: {  	s9 =	smul.u32 $0xF7A, s1;
	s8 =	simm.s32 @!p0 $0x1BF5;
	p2 =	por !p2, p0  }
0x20: {  	[sflag:s8] =	ssyncset.s32 @!p0 $0xFFFFF086;
	s6 =	sadd.s32 @!p0 s3, s7;
	s7 =	simm.s32 @!p0 $0x108  }
0x21: {  	s3 =	sadd.s32 s3, s9;
	s6 =	sadd.s32 @!p0 $0x88, s6;
	s7 =	simm.s32 @p2 $0x1082  }
0x22: {  	[simem:s7], [sflag:s8] =	dma.local @!p0 [hbm:s6], $0xF7A  }
0x23: {  	s9 =	sor.u32 $0xD0000000, s2;
	s6 =	simm.s32 $0x108;
	_ =	swait.ge @!p0 [sflag:s8], $0x0  }
0x24: {  	s3 =	sadd.s32 $0x88, s3;
	s6 =	simm.s32 @!p1 $0x1082;
	[sflag:s4] =	ssyncset.s32 $0xFFFFF086  }
0x25: {  	[simem:s6], [sflag:s4] =	dma.local [hbm:s3], $0xF7A  }
0x26: {  	[smem:$0x3F99] =	sst s1;
	(tag) =	ssettag s2;
	_ =	strace s9  }
0x27: {  	s1 =	sld [smem:$0x3FA9]  }
0x28: {  	s2 =	sld [smem:$0x3FAA]  }
0x29: {  	s4 =	sld [smem:$0x3FAC]  }
0x2a: {  	p0 =	seq.s32 s5, $0x0;
	s5 =	sld [smem:$0x3FAD]  }
0x2b: {  	s6 =	sld [smem:$0x3FAE]  }
0x2c: {  	s7 =	sld [smem:$0x3FAF]  }
0x2d: {  	s3 =	simm.s32 $0x108;
	s8 =	sld [smem:$0x3FB0]  }
0x2e: {  	s3 =	simm.s32 @!p0 $0x1082;
	s9 =	sld [smem:$0x3FB1]  }
0x2f: {  	lr =	sadd.s32 s0, s3;
	s0 =	sld [smem:$0x3FA8]  }
0x30: {  	s3 =	sld [smem:$0x3FAB]  }
0x31: {  	[smem:$0x3FB4] =	sst s10  }
0x32: {  	s10 =	sld [smem:$0x3FB2];
	_ =	sdelay $0x3  }
0x33: {  	p0 =	seq.s32 s10, $0x1;
	s10 =	sld [smem:$0x3FB4];
	_ =	sdelay $0x3  }
0x34: {  	[smem:$0x3FB4] =	sst s10  }
0x35: {  	s10 =	sld [smem:$0x3FB3];
	_ =	sdelay $0x3  }
0x36: {  	p1 =	seq.s32 s10, $0x1;
	s10 =	sld [smem:$0x3FB4];
	_ =	sdelay $0x3  }
0x37: {  	[smem:$0x3FB4] =	sst s10  }
0x38: {  	s10 =	sld [smem:$0x3FB5]  }
0x39: {  	_ = 	snop;
	(pc) =	sbr.ind lr, $3  }
0x3a: {  	_ = 	snop  }
0x3b: {  	_ = 	snop  }
0x3c: {  	p2 =	seq.s32 s10, $0x1;
	s10 =	sld [smem:$0x3FB4]  }
0x3d: {  	_ =	shalt  }
0x3e: {  	_ =	shalt  }
0x3f: {  	_ =	shalt  }
0x40: {  	_ =	shalt  }
0x41: {  	_ =	shalt  }
0x42: {  	_ =	shalt  }
0x43: {  	_ =	shalt  }
0x44: {  	_ =	shalt  }
0x45: {  	_ =	shalt  }
0x46: {  	_ =	shalt  }
0x47: {  	_ =	shalt  }
0x48: {  	_ =	shalt  }
0x49: {  	_ =	shalt  }
0x4a: {  	_ =	shalt  }
0x4b: {  	_ =	shalt  }
0x4c: {  	_ =	shalt  }
0x4d: {  	_ =	shalt  }
0x4e: {  	_ =	shalt  }
0x4f: {  	_ =	shalt  }
0x50: {  	_ =	shalt  }
0x51: {  	_ =	shalt  }
0x52: {  	_ =	shalt  }
0x53: {  	_ =	shalt  }
0x54: {  	_ =	shalt  }
0x55: {  	_ =	shalt  }
0x56: {  	_ =	shalt  }
0x57: {  	_ =	shalt  }
0x58: {  	_ =	shalt  }
0x59: {  	_ =	shalt  }
0x5a: {  	_ =	shalt  }
0x5b: {  	_ =	shalt  }
0x5c: {  	_ =	shalt  }
0x5d: {  	_ =	shalt  }
0x5e: {  	_ =	shalt  }
0x5f: {  	_ =	shalt  }
0x60: {  	_ =	shalt  }
0x61: {  	_ =	shalt  }
0x62: {  	_ =	shalt  }
0x63: {  	_ =	shalt  }
0x64: {  	_ =	shalt  }
0x65: {  	_ =	shalt  }
0x66: {  	_ =	shalt  }
0x67: {  	_ =	shalt  }
0x68: {  	_ =	shalt  }
0x69: {  	_ =	shalt  }
0x6a: {  	_ =	shalt  }
0x6b: {  	_ =	shalt  }
0x6c: {  	_ =	shalt  }
0x6d: {  	_ =	shalt  }
0x6e: {  	_ =	shalt  }
0x6f: {  	_ =	shalt  }
0x70: {  	_ =	shalt  }
0x71: {  	_ =	shalt  }
0x72: {  	_ =	shalt  }
0x73: {  	_ =	shalt  }
0x74: {  	_ =	shalt  }
0x75: {  	_ =	shalt  }
0x76: {  	_ =	shalt  }
0x77: {  	_ =	shalt  }
0x78: {  	_ =	shalt  }
0x79: {  	_ =	shalt  }
0x7a: {  	_ =	shalt  }
0x7b: {  	_ =	shalt  }
0x7c: {  	_ =	shalt  }
0x7d: {  	_ =	shalt  }
0x7e: {  	_ =	shalt  }
0x7f: {  	_ =	shalt  }
0x80: {  	_ =	shalt  }
0x81: {  	_ =	shalt  }
0x82: {  	_ =	shalt  }
0x83: {  	_ =	shalt  }
0x84: {  	_ =	shalt  }
0x85: {  	_ =	shalt  }
0x86: {  	_ =	shalt  }
0x87: {  	_ =	shalt  }
.Lfunc_end0:
.L_simem_size_0:
called_computation_lowered:
.L_overlay_start_0:
0x88: {  	s2 =	sld [smem:$0x3FD9]  }
0x89: {  	s3 =	sld [smem:$0x3FFE];
	_ =	sdelay $0x1  }
0x8a: {  	s1 =	srdreg.scid  }
0x8b: {  	s0 =	sand.u32 $0x1, s1  }
0x8c: {  	s16 =	sshll.u32 s0, $0xA;
	s2 =	sadd.s32 s3, s2  }
0x8d: {  	s2 =	sadd.s32 s2, s16  }
0x8e: {  	[smem:$0x3FC0] =	sst s2  }
0x8f: {  	_ = 	snop  }
0x90: {  	(tm) =	ssettm $0x1  }
0x91: {  	s17 =	sld [smem:$0x3FFB];
	_ =	sdelay $0x3  }
0x92: {  	_ =	strace s17  }
0x93: {  	s2 =	sld [smem:$0x3FFC];
	_ =	sdelay $0x3  }
0x94: {  	_ =	strace s2  }
0x95: {  	s2 =	sld [smem:$0x3FFD];
	_ =	sdelay $0x3  }
0x96: {  	_ =	strace s2  }
0x97: {  	_ =	strace $0x8FFFFFFF  }
0x98: {  	s18 =	sld [smem:$0x3FDB];
	_ =	sdelay $0x1  }
0x99: {  	s19 =	simm.s32 $_scs_section_size  }
0x9a: {  	s4 =	simm.s32 $_size__tile_overlayer_lowered;
	s5 =	simm.s32 $_tile_overlayer_lowered  }
0x9b: {  	s22 =	simm.s32 $0x1BFF;
	s21 =	sshll.u32 s5, $0x1;
	s2 =	sadd.s32 s19, s18  }
0x9c: {  	s6 =	simm.s32 $0x0;
	s20 =	sshll.u32 s4, $0x1;
	s4 =	sadd.s32 s21, s2  }
0x9d: {  	[timem:s6], [sflag:s22] =	dma.local [hbm:s4], s20  }
0x9e: {  	_ =	swait.ge [sflag:s22], s20  }
0x9f: {  	s3 =	ssub.s32 $0x0, s20;
	[sflag:s22] =	ssyncset.done $0x0  }
0xa0: {  	[sflag:s22] =	ssyncadd.s32 s3;
	_ =	sdelay $0x1  }
0xa1: {  	s23 =	simm.s32 $0x1B8B  }
0xa2: {  	_ =	swait.ge [sflag:s23], $0x1  }
0xa3: {  	[sflag:s23] =	ssyncset.done $0x0  }
0xa4: {  	s25 =	simm.s32 $0x1B8E;
	s24 =	sld [smem:$0x3FFE];
	[sflag:s23] =	ssyncadd.s32 $0xFFFFFFFF  }
0xa5: {  	s26 =	simm.s32 $execute0_lowered;
	[smem:$0x3FD2] =	sst s25  }
0xa6: {  	s4 =	sshll.u32 s26, $0x1;
	_ =	strace $0x80000046;
	[dreg:$0x1] =	wrdreg $0xFFFFFFFF  }
0xa7: {  	s28 =	simm.s32 $_size_execute0_lowered;
	s2 =	sadd.s32 s2, s4;
	[dreg:$0x0] =	wrdreg $0x0  }
0xa8: {  	s4 =	sshll.u32 s28, $0x1;
	[dreg:$0x2] =	wrdreg s2  }
0xa9: {  	[dreg:$0x3] =	wrdreg s4  }
0xaa: {  	[dreg:$0x4] =	wrdreg $0xC0  }
0xab: {  	_ =	task [dreg:s6], $0x5FFFF  }
0xac: {  	[dreg:$0x1] =	wrdreg $0xFFFFFFFF  }
0xad: {  	[dreg:$0x0] =	wrdreg $0x60  }
0xae: {  	[dreg:$0x2] =	wrdreg s24  }
0xaf: {  	[dreg:$0x3] =	wrdreg $0x9  }
0xb0: {  	_ =	task.clear_ibuf [dreg:s6], $0x4FFFF;
	_ =	strace $0x90000046  }
0xb1: {  	s29 =	simm.s32 $0x9;
	_ =	strace $0x80000048  }
0xb2: {  	_ =	swait.ge [sflag:s29], $0x1  }
0xb3: {  	[sflag:s29] =	ssyncadd.s32 $0xFFFFFFFF  }
0xb4: {  	_ =	strace $0x90000048  }
0xb5: {  	_ =	sfence  }
0xb6: {  	s30 =	sld [smem:$0x0];
	_ =	sdelay $0x2  }
0xb7: {  	s31 =	sshll.u32 s1, $0xD;
	s1 =	sshrl.u32 s1, $0x2  }
0xb8: {  	s3 =	sand.u32 $0x4000, s31;
	s1 =	sadd.s32 s1, s30  }
0xb9: {  	s0 =	sor.u32 s3, s0;
	s1 =	sshll.u32 s1, $0x11  }
0xba: {  	s0 =	sor.u32 s1, s0  }
0xbb: {  	s0 =	sadd.s32 $0x8F2B, s0  }
0xbc: {  	[sflag:s0] =	ssyncadd.remote.s32 $0x1  }
0xbd: {  	_ =	sfence.sel $0xFFFF  }
0xbe: {  	[dreg:$0x0] =	wrdreg $0xFFFFFFFF;
	(pc) =	sbr.abs _section_cstart, $3  }
0xbf: {  	[dreg:$0x1] =	wrdreg $0xFFFFFFFF  }
0xc0: {  	_ =	task.clear_ibuf [dreg:s6], $0x2FFFF;
	_ =	strace $0x9FFFFFFF  }
0xc1: {  	(tm) =	ssettm $0x7FFFFFFF  }
tec
execute0_lowered:
.L_overlay_start_1:
0x0: {  	(tag) =	ssettag $0x1  }
0x1: {  	s0 =	rddreg [dreg:$0x0];
	s3 =	simm.s32 $0x0;
	s1 =	srdreg.scid  }
0x2: {  	s2 =	stileid.u32;
	s29 =	simm.s32 $0x3;
	s31 =	simm.s32 $0x4  }
0x3: {  	s10 =	simm.s32 $0x6;
	s12 =	simm.s32 $0x7;
	s14 =	simm.s32 $0x8  }
0x4: {  	s16 =	simm.s32 $0x9;
	s8 =	simm.s32 $0xA;
	[smem:$0x7FF] =	sst s3  }
0x5: {  	s1 =	sand.u32 $0x1, s1;
	s2 =	sshll.u32 s2, $0x1;
	s3 =	sadd.s32 $0x7A2000, s0  }
0x6: {  	s4 =	sadd.s32 $0xE00, s0;
	s5 =	ssub.s32 $0x2, s1;
	s1 =	sor.u32 s1, s2  }
0x7: {  	s0 =	sadd.s32 $0x806000, s0;
	_ =	strace $0x80000047;
	s6 =	smul.u32 $0x3200, s1  }
0x8: {  	[dreg:$0x2] =	wrdreg s0;
	s17 =	sshrl.u32 s5, $0x1;
	s19 =	sshll.u32 s1, $0x9  }
0x9: {  	s18 =	ssub.s32 s5, s17;
	[dreg:$0x3] =	wrdreg s19;
	s20 =	sadd.s32 s3, s6  }
0xa: {  	s28 =	simm.s32 $0xC;
	s0 =	smax.u32 s18, $0x1;
	[dreg:$0x4] =	wrdreg s20  }
0xb: {  	s30 =	simm.s32 $0xD;
	s21 =	sadd.s32 $0x19, s20;
	[dreg:$0xc] =	wrdreg s0  }
0xc: {  	s9 =	simm.s32 $0xF;
	s22 =	sadd.s32 $0x32, s20;
	[dreg:$0x5] =	wrdreg s21  }
0xd: {  	s11 =	simm.s32 $0x10;
	s23 =	sadd.s32 $0x4B, s20;
	[dreg:$0x6] =	wrdreg s22  }
0xe: {  	s13 =	simm.s32 $0x11;
	s24 =	sadd.s32 $0x64, s20;
	[dreg:$0x7] =	wrdreg s23  }
0xf: {  	s7 =	sshllo.u32 s1, $0x9;
	s25 =	sadd.s32 $0x7D, s20;
	[dreg:$0x8] =	wrdreg s24  }
0x10: {  	s17 =	simm.s32 $0xC8;
	s26 =	sadd.s32 $0x96, s20;
	[dreg:$0x9] =	wrdreg s25  }
0x11: {  	s5 =	simm.s32 $0x0;
	s1 =	sadd.s32 $0xAF, s20;
	[dreg:$0xa] =	wrdreg s26  }
0x12: {  	s0 =	simm.s32 $0xE;
	s20 =	simm.s32 $0x258;
	[dreg:$0xb] =	wrdreg s1  }
0x13: {  	s24 =	simm.s32 $0x1;
	s26 =	simm.s32 $0x2;
	s1 =	simm.s32 $0x5  }
0x14: {  	s25 =	simm.s32 $0xB;
	s21 =	simm.s32 $0x320;
	s22 =	simm.s32 $0x3E8  }
.LBB2_1:
0x15: {  	[dreg:$0xd] =	wrdreg s5  }
0x16: {  	s2 =	simm.s32 $0x0;
	s6 =	rddreg [dreg:$0x4]  }
0x17: {  	[tilespmem:s2], [sflag:$0x1] =	stream.linear.gather [hbm4b:s6+s2], $0xC8, $0x38;
	[tilespmem:$0x19840] =	vst v63  }
0x18: {  	s15 =	rddreg [dreg:$0x5]  }
0x19: {  	[tilespmem:s17], [sflag:$0x2] =	stream.linear.gather [hbm4b:s15+s2], $0xC8, $0x38;
	[tilespmem:$0x19840] =	vst v63  }
0x1a: {  	s18 =	rddreg [dreg:$0x6];
	s6 =	simm.s32 $0x190  }
0x1b: {  	[tilespmem:s6], [sflag:$0x3] =	stream.linear.gather [hbm4b:s18+s2], $0xC8, $0x38;
	[tilespmem:$0x19840] =	vst v63  }
0x1c: {  	s19 =	rddreg [dreg:$0x7];
	s15 =	simm.s32 $0x258  }
0x1d: {  	[tilespmem:s15], [sflag:$0x4] =	stream.linear.gather [hbm4b:s19+s2], $0xC8, $0x38;
	[tilespmem:$0x19840] =	vst v63  }
0x1e: {  	s23 =	rddreg [dreg:$0x8];
	s18 =	simm.s32 $0x320  }
0x1f: {  	[tilespmem:s18], [sflag:$0x5] =	stream.linear.gather [hbm4b:s23+s2], $0xC8, $0x38;
	[tilespmem:$0x19840] =	vst v63  }
0x20: {  	s19 =	rddreg [dreg:$0x9];
	s23 =	simm.s32 $0x3E8  }
0x21: {  	[tilespmem:s23], [sflag:$0x6] =	stream.linear.gather [hbm4b:s19+s2], $0xC8, $0x38;
	[tilespmem:$0x19840] =	vst v63  }
0x22: {  	s5 =	rddreg [dreg:$0xa];
	s19 =	simm.s32 $0x4B0  }
0x23: {  	[tilespmem:s19], [sflag:$0x7] =	stream.linear.gather [hbm4b:s5+s2], $0xC8, $0x38;
	[tilespmem:$0x19840] =	vst v63  }
0x24: {  	s5 =	rddreg [dreg:$0xb];
	s19 =	simm.s32 $0x578  }
0x25: {  	[tilespmem:s19], [sflag:$0x8] =	stream.linear.gather [hbm4b:s5+s2], $0xC8, $0x38;
	[tilespmem:$0x19840] =	vst v63  }
0x26: {  	_ =	swait.ge [sflag:s24], $0xC8  }
0x27: {  	[sflag:s24] =	ssyncset.done $0x0  }
0x28: {  	s19 =	simm.s32 $0x640;
	[sflag:s24] =	ssyncadd.s32 $0xFFFFFF38  }
0x29: {  	[tilespmem:s19], [sflag:$0x9] =	stream.indirect.gather [hbm4b:s4+s17], $0x40, s2, s17, $0xb8;
	[tilespmem:$0x19840] =	vst v63  }
0x2a: {  	_ =	swait.ge [sflag:s26], $0xC8  }
0x2b: {  	[sflag:s26] =	ssyncset.done $0x0  }
0x2c: {  	s19 =	simm.s32 $0x3840;
	[sflag:s26] =	ssyncadd.s32 $0xFFFFFF38  }
0x2d: {  	[tilespmem:s19], [sflag:$0xA] =	stream.indirect.gather [hbm4b:s4+s17], $0x40, s17, s17, $0xb8;
	[tilespmem:$0x19840] =	vst v63  }
0x2e: {  	_ =	swait.ge [sflag:s29], $0xC8  }
0x2f: {  	[sflag:s29] =	ssyncset.done $0x0  }
0x30: {  	s5 =	simm.s32 $0x6A40;
	[sflag:s29] =	ssyncadd.s32 $0xFFFFFF38  }
0x31: {  	[tilespmem:s5], [sflag:$0xB] =	stream.indirect.gather [hbm4b:s4+s17], $0x40, s6, s17, $0xb8;
	[tilespmem:$0x19840] =	vst v63  }
0x32: {  	_ =	swait.ge [sflag:s31], $0xC8  }
0x33: {  	[sflag:s31] =	ssyncset.done $0x0  }
0x34: {  	s6 =	simm.s32 $0x9C40;
	[sflag:s31] =	ssyncadd.s32 $0xFFFFFF38  }
0x35: {  	[tilespmem:s6], [sflag:$0xC] =	stream.indirect.gather [hbm4b:s4+s17], $0x40, s15, s17, $0xb8;
	[tilespmem:$0x19840] =	vst v63  }
0x36: {  	_ =	swait.ge [sflag:s1], $0xC8  }
0x37: {  	[sflag:s1] =	ssyncset.done $0x0  }
0x38: {  	s15 =	simm.s32 $0xCE40;
	[sflag:s1] =	ssyncadd.s32 $0xFFFFFF38  }
0x39: {  	[tilespmem:s15], [sflag:$0xD] =	stream.indirect.gather [hbm4b:s4+s17], $0x40, s18, s17, $0xb8;
	[tilespmem:$0x19840] =	vst v63  }
0x3a: {  	_ =	swait.ge [sflag:s10], $0xC8  }
0x3b: {  	[sflag:s10] =	ssyncset.done $0x0  }
0x3c: {  	s19 =	simm.s32 $0x10040;
	[sflag:s10] =	ssyncadd.s32 $0xFFFFFF38  }
0x3d: {  	[tilespmem:s19], [sflag:$0xE] =	stream.indirect.gather [hbm4b:s4+s17], $0x40, s23, s17, $0xb8;
	[tilespmem:$0x19840] =	vst v63  }
0x3e: {  	_ =	swait.ge [sflag:s12], $0xC8  }
0x3f: {  	[sflag:s12] =	ssyncset.done $0x0  }
0x40: {  	s5 =	simm.s32 $0x13240;
	s6 =	simm.s32 $0x4B0;
	[sflag:s12] =	ssyncadd.s32 $0xFFFFFF38  }
0x41: {  	[tilespmem:s5], [sflag:$0xF] =	stream.indirect.gather [hbm4b:s4+s17], $0x40, s6, s17, $0xb8;
	[tilespmem:$0x19840] =	vst v63  }
0x42: {  	_ =	swait.ge [sflag:s14], $0xC8  }
0x43: {  	[sflag:s14] =	ssyncset.done $0x0  }
0x44: {  	s15 =	simm.s32 $0x16440;
	s18 =	simm.s32 $0x578;
	[sflag:s14] =	ssyncadd.s32 $0xFFFFFF38  }
0x45: {  	[tilespmem:s15], [sflag:$0x10] =	stream.indirect.gather [hbm4b:s4+s17], $0x40, s18, s17, $0xb8;
	[tilespmem:$0x19840] =	vst v63  }
0x46: {  	s23 =	simm.s32 $0x4B0;
	s19 =	simm.s32 $0x578;
	s15 =	simm.s32 $0x0  }
.LBB2_2:
0x47: {  	s2 =	sshll.u32 s15, $0x3;
	s5 =	rddreg [dreg:$0x3]  }
0x48: {  	s2 =	sadd.s32 s5, s2  }
0x49: {  	s5 =	sadd.s32 $0x8, s2  }
0x4a: {  	s5 =	smin.u32 s5, s7  }
0x4b: {  	_ =	swait.ge [sflag:s16], $0x3200;
	s5 =	smul.u32 $0x19, s5  }
0x4c: {  	s6 =	simm.s32 $0x0;
	[sflag:s16] =	ssyncset.done $0x0  }
0x4d: {  	s18 =	simm.s32 $0x0;
	[sflag:s16] =	ssyncadd.s32 $0xFFFFCE00;
	s5 =	sadd.s32 s3, s5  }
0x4e: {  	[tilespmem:s6], [sflag:$0x1] =	stream.linear.gather [hbm4b:s5+s6], $0xC8, $0x38;
	[tilespmem:$0x19840] =	vst v63  }
0x4f: {  	v0 =	vld [tilespmem:s18+$0x6B0]  }
0x50: {  	v1 =	vld [tilespmem:s18+$0x640]  }
0x51: {  	v2 =	vld [tilespmem:s18+$0x650]  }
0x52: {  	v5 =	vld [tilespmem:s18+$0x660]  }
0x53: {  	v6 =	vld [tilespmem:s18+$0x670]  }
0x54: {  	v3 =	vimm.f32 $0.0e+00;
	v4 =	vimm.f32 $0.0e+00;
	v7 =	vld [tilespmem:s18+$0x680]  }
0x55: {  	v10 =	vimm.f32 $0.0e+00;
	v8 =	vimm.f32 $0.0e+00;
	v11 =	vld [tilespmem:s18+$0x690];
	v0 =	vadd.f32 v0, v3  }
0x56: {  	v9 =	vimm.f32 $0.0e+00;
	s5 =	simm.s32 $0x80;
	s6 =	simm.s32 $0x400;
	v12 =	vld [tilespmem:s18+$0x6A0];
	v1 =	vadd.f32 v1, v3;
	v2 =	vadd.f32 v2, v3  }
.LBB2_3:
0x57: {  	p0 =	sne.s32 s6, $0xC600;
	v13 =	vld [tilespmem:s5+$0x6B0];
	v3 =	vadd.f32 v5, v3  }
0x58: {  	v14 =	vld [tilespmem:s5+$0x640];
	v4 =	vadd.f32 v6, v4  }
0x59: {  	v15 =	vld [tilespmem:s5+$0x650];
	v10 =	vadd.f32 v7, v10  }
.Ltmp0:
0x5a: {  	v5 =	vld [tilespmem:s5+$0x660];
	v8 =	vadd.f32 v11, v8;
	(pc) =	sbr.rel @p0 .LBB2_3-.Ltmp0, $4  }
0x5b: {  	v6 =	vld [tilespmem:s5+$0x670];
	v9 =	vadd.f32 v12, v9  }
0x5c: {  	v7 =	vld [tilespmem:s5+$0x680];
	v0 =	vadd.f32 v13, v0  }
0x5d: {  	v1 =	vadd.f32 v14, v1;
	v11 =	vld [tilespmem:s5+$0x690]  }
0x5e: {  	v2 =	vadd.f32 v15, v2;
	v12 =	vld [tilespmem:s5+$0x6A0];
	s5 =	sshra.s32 s6, $0x2;
	s6 =	sadd.s32 $0x200, s6  }
0x5f: {  	v13 =	vld [tilespmem:s5+$0x6B0]  }
0x60: {  	v14 =	vld [tilespmem:s5+$0x640]  }
0x61: {  	v15 =	vld [tilespmem:s5+$0x650]  }
0x62: {  	v16 =	vld [tilespmem:s5+$0x660]  }
0x63: {  	v17 =	vld [tilespmem:s5+$0x680]  }
0x64: {  	v3 =	vadd.f32 v5, v3;
	v5 =	vld [tilespmem:s5+$0x690]  }
0x65: {  	v4 =	vadd.f32 v6, v4;
	v6 =	vadd.f32 v7, v10;
	v7 =	vld [tilespmem:s5+$0x6A0]  }
0x66: {  	v10 =	vld [tilespmem:s5+$0x670];
	v8 =	vadd.f32 v11, v8;
	v9 =	vadd.f32 v12, v9  }
0x67: {  	v0 =	vadd.f32 v13, v0;
	v1 =	vadd.f32 v14, v1  }
0x68: {  	v2 =	vadd.f32 v15, v2;
	v6 =	vadd.f32 v17, v6  }
0x69: {  	v3 =	vadd.f32 v16, v3;
	v5 =	vadd.f32 v5, v8  }
0x6a: {  	v7 =	vadd.f32 v7, v9;
	v1 =	vadd.f32 v6, v1  }
0x6b: {  	v4 =	vadd.f32 v10, v4;
	v2 =	vadd.f32 v5, v2  }
0x6c: {  	v3 =	vadd.f32 v7, v3;
	[tilespmem:$0x19640] =	vst v1  }
0x6d: {  	v0 =	vadd.f32 v0, v4;
	[tilespmem:$0x19650] =	vst v2  }
0x6e: {  	[tilespmem:$0x19660] =	vst v3  }
0x6f: {  	[tilespmem:$0x19670] =	vst v0  }
0x70: {  	_ =	swait.ge [sflag:s24], $0xC8  }
0x71: {  	s6 =	simm.s32 $0x640;
	[sflag:s24] =	ssyncset.done $0x0  }
0x72: {  	s18 =	sadd.s32 $0x9, s2;
	s5 =	simm.s32 $0x0;
	[sflag:s24] =	ssyncadd.s32 $0xFFFFFF38  }
0x73: {  	[tilespmem:s6], [sflag:$0x9] =	stream.indirect.gather [hbm4b:s4+s17], $0x40, s5, s17, $0xb8;
	[tilespmem:$0x19840] =	vst v63  }
0x74: {  	s6 =	smin.u32 s18, s7  }
0x75: {  	_ =	swait.ge [sflag:s8], $0x3200;
	s6 =	smul.u32 $0x19, s6  }
0x76: {  	[sflag:s8] =	ssyncset.done $0x0  }
0x77: {  	s18 =	simm.s32 $0x0;
	[sflag:s8] =	ssyncadd.s32 $0xFFFFCE00;
	s6 =	sadd.s32 s3, s6  }
0x78: {  	[tilespmem:s17], [sflag:$0x2] =	stream.linear.gather [hbm4b:s6+s5], $0xC8, $0x38;
	[tilespmem:$0x19840] =	vst v63  }
0x79: {  	v0 =	vld [tilespmem:s18+$0x38B0]  }
0x7a: {  	v1 =	vld [tilespmem:s18+$0x3840]  }
0x7b: {  	v2 =	vld [tilespmem:s18+$0x3850]  }
0x7c: {  	v5 =	vld [tilespmem:s18+$0x3860]  }
0x7d: {  	v6 =	vld [tilespmem:s18+$0x3870]  }
0x7e: {  	v8 =	vimm.f32 $0.0e+00;
	v3 =	vimm.f32 $0.0e+00;
	v7 =	vld [tilespmem:s18+$0x3880]  }
0x7f: {  	v10 =	vimm.f32 $0.0e+00;
	v9 =	vimm.f32 $0.0e+00;
	v11 =	vld [tilespmem:s18+$0x3890];
	v0 =	vadd.f32 v0, v3  }
0x80: {  	v4 =	vimm.f32 $0.0e+00;
	s5 =	simm.s32 $0x80;
	s6 =	simm.s32 $0x400;
	v12 =	vld [tilespmem:s18+$0x38A0];
	v1 =	vadd.f32 v1, v3;
	v2 =	vadd.f32 v2, v3  }
.LBB2_5:
0x81: {  	p0 =	sne.s32 s6, $0xC600;
	v13 =	vld [tilespmem:s5+$0x38B0];
	v3 =	vadd.f32 v5, v3  }
0x82: {  	v14 =	vld [tilespmem:s5+$0x3840];
	v4 =	vadd.f32 v6, v4  }
0x83: {  	v15 =	vld [tilespmem:s5+$0x3850];
	v10 =	vadd.f32 v7, v10  }
.Ltmp1:
0x84: {  	v5 =	vld [tilespmem:s5+$0x3860];
	v8 =	vadd.f32 v11, v8;
	(pc) =	sbr.rel @p0 .LBB2_5-.Ltmp1, $4  }
0x85: {  	v6 =	vld [tilespmem:s5+$0x3870];
	v9 =	vadd.f32 v12, v9  }
0x86: {  	v7 =	vld [tilespmem:s5+$0x3880];
	v0 =	vadd.f32 v13, v0  }
0x87: {  	v1 =	vadd.f32 v14, v1;
	v11 =	vld [tilespmem:s5+$0x3890]  }
0x88: {  	v2 =	vadd.f32 v15, v2;
	v12 =	vld [tilespmem:s5+$0x38A0];
	s5 =	sshra.s32 s6, $0x2;
	s6 =	sadd.s32 $0x200, s6  }
0x89: {  	v13 =	vld [tilespmem:s5+$0x38B0]  }
0x8a: {  	v14 =	vld [tilespmem:s5+$0x3840]  }
0x8b: {  	v15 =	vld [tilespmem:s5+$0x3850]  }
0x8c: {  	v16 =	vld [tilespmem:s5+$0x3860]  }
0x8d: {  	v17 =	vld [tilespmem:s5+$0x3880]  }
0x8e: {  	v3 =	vadd.f32 v5, v3;
	v5 =	vld [tilespmem:s5+$0x3890]  }
0x8f: {  	v4 =	vadd.f32 v6, v4;
	v6 =	vadd.f32 v7, v10;
	v7 =	vld [tilespmem:s5+$0x38A0]  }
0x90: {  	v10 =	vld [tilespmem:s5+$0x3870];
	v8 =	vadd.f32 v11, v8;
	v9 =	vadd.f32 v12, v9  }
0x91: {  	v0 =	vadd.f32 v13, v0;
	v1 =	vadd.f32 v14, v1  }
0x92: {  	v2 =	vadd.f32 v15, v2;
	v6 =	vadd.f32 v17, v6  }
0x93: {  	v3 =	vadd.f32 v16, v3;
	v5 =	vadd.f32 v5, v8  }
0x94: {  	v7 =	vadd.f32 v7, v9;
	v1 =	vadd.f32 v6, v1  }
0x95: {  	v4 =	vadd.f32 v10, v4;
	v2 =	vadd.f32 v5, v2  }
0x96: {  	v3 =	vadd.f32 v7, v3;
	[tilespmem:$0x19680] =	vst v1  }
0x97: {  	v0 =	vadd.f32 v0, v4;
	[tilespmem:$0x19690] =	vst v2  }
0x98: {  	[tilespmem:$0x196A0] =	vst v3  }
0x99: {  	[tilespmem:$0x196B0] =	vst v0  }
0x9a: {  	_ =	swait.ge [sflag:s26], $0xC8  }
0x9b: {  	s18 =	sadd.s32 $0xA, s2;
	[sflag:s26] =	ssyncset.done $0x0  }
0x9c: {  	s6 =	simm.s32 $0x3840;
	s5 =	smin.u32 s18, s7;
	[sflag:s26] =	ssyncadd.s32 $0xFFFFFF38  }
0x9d: {  	[tilespmem:s6], [sflag:$0xA] =	stream.indirect.gather [hbm4b:s4+s17], $0x40, s17, s17, $0xb8;
	[tilespmem:$0x19840] =	vst v63  }
0x9e: {  	s5 =	smul.u32 $0x19, s5;
	_ =	swait.ge [sflag:s25], $0x3200  }
0x9f: {  	s18 =	simm.s32 $0x190;
	[sflag:s25] =	ssyncset.done $0x0  }
0xa0: {  	s5 =	sadd.s32 s3, s5;
	s6 =	simm.s32 $0x0;
	[sflag:s25] =	ssyncadd.s32 $0xFFFFCE00  }
0xa1: {  	[tilespmem:s18], [sflag:$0x3] =	stream.linear.gather [hbm4b:s5+s6], $0xC8, $0x38;
	[tilespmem:$0x19840] =	vst v63  }
0xa2: {  	s18 =	simm.s32 $0x0  }
0xa3: {  	v0 =	vld [tilespmem:s18+$0x6AB0]  }
0xa4: {  	v1 =	vld [tilespmem:s18+$0x6A40]  }
0xa5: {  	v2 =	vld [tilespmem:s18+$0x6A50]  }
0xa6: {  	v5 =	vld [tilespmem:s18+$0x6A60]  }
0xa7: {  	v6 =	vld [tilespmem:s18+$0x6A70]  }
0xa8: {  	v8 =	vimm.f32 $0.0e+00;
	v3 =	vimm.f32 $0.0e+00;
	v7 =	vld [tilespmem:s18+$0x6A80]  }
0xa9: {  	v10 =	vimm.f32 $0.0e+00;
	v9 =	vimm.f32 $0.0e+00;
	v11 =	vld [tilespmem:s18+$0x6A90];
	v0 =	vadd.f32 v0, v3  }
0xaa: {  	v4 =	vimm.f32 $0.0e+00;
	s5 =	simm.s32 $0x80;
	s6 =	simm.s32 $0x400;
	v12 =	vld [tilespmem:s18+$0x6AA0];
	v1 =	vadd.f32 v1, v3;
	v2 =	vadd.f32 v2, v3  }
.LBB2_7:
0xab: {  	p0 =	sne.s32 s6, $0xC600;
	v13 =	vld [tilespmem:s5+$0x6AB0];
	v3 =	vadd.f32 v5, v3  }
0xac: {  	v14 =	vld [tilespmem:s5+$0x6A40];
	v4 =	vadd.f32 v6, v4  }
0xad: {  	v15 =	vld [tilespmem:s5+$0x6A50];
	v10 =	vadd.f32 v7, v10  }
.Ltmp2:
0xae: {  	v5 =	vld [tilespmem:s5+$0x6A60];
	v8 =	vadd.f32 v11, v8;
	(pc) =	sbr.rel @p0 .LBB2_7-.Ltmp2, $4  }
0xaf: {  	v6 =	vld [tilespmem:s5+$0x6A70];
	v9 =	vadd.f32 v12, v9  }
0xb0: {  	v7 =	vld [tilespmem:s5+$0x6A80];
	v0 =	vadd.f32 v13, v0  }
0xb1: {  	v1 =	vadd.f32 v14, v1;
	v11 =	vld [tilespmem:s5+$0x6A90]  }
0xb2: {  	v2 =	vadd.f32 v15, v2;
	v12 =	vld [tilespmem:s5+$0x6AA0];
	s5 =	sshra.s32 s6, $0x2;
	s6 =	sadd.s32 $0x200, s6  }
0xb3: {  	v13 =	vld [tilespmem:s5+$0x6AB0]  }
0xb4: {  	v14 =	vld [tilespmem:s5+$0x6A40]  }
0xb5: {  	v15 =	vld [tilespmem:s5+$0x6A50]  }
0xb6: {  	v16 =	vld [tilespmem:s5+$0x6A60]  }
0xb7: {  	v17 =	vld [tilespmem:s5+$0x6A80]  }
0xb8: {  	v3 =	vadd.f32 v5, v3;
	v5 =	vld [tilespmem:s5+$0x6A90]  }
0xb9: {  	v4 =	vadd.f32 v6, v4;
	v6 =	vadd.f32 v7, v10;
	v7 =	vld [tilespmem:s5+$0x6AA0]  }
0xba: {  	v10 =	vld [tilespmem:s5+$0x6A70];
	v8 =	vadd.f32 v11, v8;
	v9 =	vadd.f32 v12, v9  }
0xbb: {  	v0 =	vadd.f32 v13, v0;
	v1 =	vadd.f32 v14, v1  }
0xbc: {  	v2 =	vadd.f32 v15, v2;
	v6 =	vadd.f32 v17, v6  }
0xbd: {  	v3 =	vadd.f32 v16, v3;
	v5 =	vadd.f32 v5, v8  }
0xbe: {  	v7 =	vadd.f32 v7, v9;
	v1 =	vadd.f32 v6, v1  }
0xbf: {  	v4 =	vadd.f32 v10, v4;
	v2 =	vadd.f32 v5, v2  }
0xc0: {  	v3 =	vadd.f32 v7, v3;
	[tilespmem:$0x196C0] =	vst v1  }
0xc1: {  	v0 =	vadd.f32 v0, v4;
	[tilespmem:$0x196D0] =	vst v2  }
0xc2: {  	[tilespmem:$0x196E0] =	vst v3  }
0xc3: {  	[tilespmem:$0x196F0] =	vst v0  }
0xc4: {  	_ =	swait.ge [sflag:s29], $0xC8  }
0xc5: {  	[sflag:s29] =	ssyncset.done $0x0  }
0xc6: {  	s18 =	simm.s32 $0x190;
	s6 =	simm.s32 $0x6A40;
	[sflag:s29] =	ssyncadd.s32 $0xFFFFFF38  }
0xc7: {  	[tilespmem:s6], [sflag:$0xB] =	stream.indirect.gather [hbm4b:s4+s17], $0x40, s18, s17, $0xb8;
	[tilespmem:$0x19840] =	vst v63  }
0xc8: {  	s6 =	sadd.s32 $0xB, s2  }
0xc9: {  	s5 =	smin.u32 s6, s7  }
0xca: {  	_ =	swait.ge [sflag:s28], $0x3200;
	s5 =	smul.u32 $0x19, s5  }
0xcb: {  	[sflag:s28] =	ssyncset.done $0x0  }
0xcc: {  	s18 =	simm.s32 $0x0;
	[sflag:s28] =	ssyncadd.s32 $0xFFFFCE00;
	s5 =	sadd.s32 s3, s5  }
0xcd: {  	[tilespmem:s20], [sflag:$0x4] =	stream.linear.gather [hbm4b:s5+s18], $0xC8, $0x38;
	[tilespmem:$0x19840] =	vst v63  }
0xce: {  	s18 =	simm.s32 $0x0  }
0xcf: {  	v0 =	vld [tilespmem:s18+$0x9CB0]  }
0xd0: {  	v1 =	vld [tilespmem:s18+$0x9C40]  }
0xd1: {  	v2 =	vld [tilespmem:s18+$0x9C50]  }
0xd2: {  	v5 =	vld [tilespmem:s18+$0x9C60]  }
0xd3: {  	v6 =	vld [tilespmem:s18+$0x9C70]  }
0xd4: {  	v8 =	vimm.f32 $0.0e+00;
	v3 =	vimm.f32 $0.0e+00;
	v7 =	vld [tilespmem:s18+$0x9C80]  }
0xd5: {  	v10 =	vimm.f32 $0.0e+00;
	v9 =	vimm.f32 $0.0e+00;
	v11 =	vld [tilespmem:s18+$0x9C90];
	v0 =	vadd.f32 v0, v3  }
0xd6: {  	v4 =	vimm.f32 $0.0e+00;
	s6 =	simm.s32 $0x400;
	s5 =	simm.s32 $0x80;
	v12 =	vld [tilespmem:s18+$0x9CA0];
	v1 =	vadd.f32 v1, v3;
	v2 =	vadd.f32 v2, v3  }
.LBB2_9:
0xd7: {  	p0 =	sne.s32 s6, $0xC600;
	v13 =	vld [tilespmem:s5+$0x9CB0];
	v3 =	vadd.f32 v5, v3  }
0xd8: {  	v14 =	vld [tilespmem:s5+$0x9C40];
	v4 =	vadd.f32 v6, v4  }
0xd9: {  	v15 =	vld [tilespmem:s5+$0x9C50];
	v10 =	vadd.f32 v7, v10  }
.Ltmp3:
0xda: {  	v5 =	vld [tilespmem:s5+$0x9C60];
	v8 =	vadd.f32 v11, v8;
	(pc) =	sbr.rel @p0 .LBB2_9-.Ltmp3, $4  }
0xdb: {  	v6 =	vld [tilespmem:s5+$0x9C70];
	v9 =	vadd.f32 v12, v9  }
0xdc: {  	v7 =	vld [tilespmem:s5+$0x9C80];
	v0 =	vadd.f32 v13, v0  }
0xdd: {  	v1 =	vadd.f32 v14, v1;
	v11 =	vld [tilespmem:s5+$0x9C90]  }
0xde: {  	v2 =	vadd.f32 v15, v2;
	v12 =	vld [tilespmem:s5+$0x9CA0];
	s5 =	sshra.s32 s6, $0x2;
	s6 =	sadd.s32 $0x200, s6  }
0xdf: {  	v13 =	vld [tilespmem:s5+$0x9CB0]  }
0xe0: {  	v14 =	vld [tilespmem:s5+$0x9C40]  }
0xe1: {  	v15 =	vld [tilespmem:s5+$0x9C50]  }
0xe2: {  	v16 =	vld [tilespmem:s5+$0x9C60]  }
0xe3: {  	v17 =	vld [tilespmem:s5+$0x9C80]  }
0xe4: {  	v3 =	vadd.f32 v5, v3;
	v5 =	vld [tilespmem:s5+$0x9C90]  }
0xe5: {  	v4 =	vadd.f32 v6, v4;
	v6 =	vadd.f32 v7, v10;
	v7 =	vld [tilespmem:s5+$0x9CA0]  }
0xe6: {  	v10 =	vld [tilespmem:s5+$0x9C70];
	v8 =	vadd.f32 v11, v8;
	v9 =	vadd.f32 v12, v9  }
0xe7: {  	v0 =	vadd.f32 v13, v0;
	v1 =	vadd.f32 v14, v1  }
0xe8: {  	v2 =	vadd.f32 v15, v2;
	v6 =	vadd.f32 v17, v6  }
0xe9: {  	v3 =	vadd.f32 v16, v3;
	v5 =	vadd.f32 v5, v8  }
0xea: {  	v7 =	vadd.f32 v7, v9;
	v1 =	vadd.f32 v6, v1  }
0xeb: {  	v4 =	vadd.f32 v10, v4;
	v2 =	vadd.f32 v5, v2  }
0xec: {  	v3 =	vadd.f32 v7, v3;
	[tilespmem:$0x19700] =	vst v1  }
0xed: {  	v0 =	vadd.f32 v0, v4;
	[tilespmem:$0x19710] =	vst v2  }
0xee: {  	[tilespmem:$0x19720] =	vst v3  }
0xef: {  	[tilespmem:$0x19730] =	vst v0  }
0xf0: {  	_ =	swait.ge [sflag:s31], $0xC8  }
0xf1: {  	s18 =	sadd.s32 $0xC, s2;
	[sflag:s31] =	ssyncset.done $0x0  }
0xf2: {  	s6 =	simm.s32 $0x9C40;
	s5 =	smin.u32 s18, s7;
	[sflag:s31] =	ssyncadd.s32 $0xFFFFFF38  }
0xf3: {  	[tilespmem:s6], [sflag:$0xC] =	stream.indirect.gather [hbm4b:s4+s17], $0x40, s20, s17, $0xb8;
	[tilespmem:$0x19840] =	vst v63  }
0xf4: {  	s5 =	smul.u32 $0x19, s5;
	_ =	swait.ge [sflag:s30], $0x3200  }
0xf5: {  	s18 =	simm.s32 $0x0;
	[sflag:s30] =	ssyncset.done $0x0  }
0xf6: {  	s5 =	sadd.s32 s3, s5;
	s6 =	simm.s32 $0x0;
	[sflag:s30] =	ssyncadd.s32 $0xFFFFCE00  }
0xf7: {  	[tilespmem:s21], [sflag:$0x5] =	stream.linear.gather [hbm4b:s5+s6], $0xC8, $0x38;
	[tilespmem:$0x19840] =	vst v63  }
0xf8: {  	v0 =	vld [tilespmem:s18+$0xCEB0]  }
0xf9: {  	v1 =	vld [tilespmem:s18+$0xCE40]  }
0xfa: {  	v2 =	vld [tilespmem:s18+$0xCE50]  }
0xfb: {  	v5 =	vld [tilespmem:s18+$0xCE60]  }
0xfc: {  	v6 =	vld [tilespmem:s18+$0xCE70]  }
0xfd: {  	v8 =	vimm.f32 $0.0e+00;
	v3 =	vimm.f32 $0.0e+00;
	v7 =	vld [tilespmem:s18+$0xCE80]  }
0xfe: {  	v10 =	vimm.f32 $0.0e+00;
	v9 =	vimm.f32 $0.0e+00;
	v11 =	vld [tilespmem:s18+$0xCE90];
	v0 =	vadd.f32 v0, v3  }
0xff: {  	v4 =	vimm.f32 $0.0e+00;
	s5 =	simm.s32 $0x80;
	s6 =	simm.s32 $0x400;
	v12 =	vld [tilespmem:s18+$0xCEA0];
	v1 =	vadd.f32 v1, v3;
	v2 =	vadd.f32 v2, v3  }
.LBB2_11:
0x100: {  	p0 =	sne.s32 s6, $0xC600;
	v13 =	vld [tilespmem:s5+$0xCEB0];
	v3 =	vadd.f32 v5, v3  }
0x101: {  	v14 =	vld [tilespmem:s5+$0xCE40];
	v4 =	vadd.f32 v6, v4  }
0x102: {  	v15 =	vld [tilespmem:s5+$0xCE50];
	v10 =	vadd.f32 v7, v10  }
.Ltmp4:
0x103: {  	v5 =	vld [tilespmem:s5+$0xCE60];
	v8 =	vadd.f32 v11, v8;
	(pc) =	sbr.rel @p0 .LBB2_11-.Ltmp4, $4  }
0x104: {  	v6 =	vld [tilespmem:s5+$0xCE70];
	v9 =	vadd.f32 v12, v9  }
0x105: {  	v7 =	vld [tilespmem:s5+$0xCE80];
	v0 =	vadd.f32 v13, v0  }
0x106: {  	v1 =	vadd.f32 v14, v1;
	v11 =	vld [tilespmem:s5+$0xCE90]  }
0x107: {  	v2 =	vadd.f32 v15, v2;
	v12 =	vld [tilespmem:s5+$0xCEA0];
	s5 =	sshra.s32 s6, $0x2;
	s6 =	sadd.s32 $0x200, s6  }
0x108: {  	v13 =	vld [tilespmem:s5+$0xCEB0]  }
0x109: {  	v14 =	vld [tilespmem:s5+$0xCE40]  }
0x10a: {  	v15 =	vld [tilespmem:s5+$0xCE50]  }
0x10b: {  	v16 =	vld [tilespmem:s5+$0xCE60]  }
0x10c: {  	v17 =	vld [tilespmem:s5+$0xCE80]  }
0x10d: {  	v3 =	vadd.f32 v5, v3;
	v5 =	vld [tilespmem:s5+$0xCE90]  }
0x10e: {  	v4 =	vadd.f32 v6, v4;
	v6 =	vadd.f32 v7, v10;
	v7 =	vld [tilespmem:s5+$0xCEA0]  }
0x10f: {  	v10 =	vld [tilespmem:s5+$0xCE70];
	v8 =	vadd.f32 v11, v8;
	v9 =	vadd.f32 v12, v9  }
0x110: {  	v0 =	vadd.f32 v13, v0;
	v1 =	vadd.f32 v14, v1  }
0x111: {  	v2 =	vadd.f32 v15, v2;
	v6 =	vadd.f32 v17, v6  }
0x112: {  	v3 =	vadd.f32 v16, v3;
	v5 =	vadd.f32 v5, v8  }
0x113: {  	v7 =	vadd.f32 v7, v9;
	v1 =	vadd.f32 v6, v1  }
0x114: {  	v4 =	vadd.f32 v10, v4;
	v2 =	vadd.f32 v5, v2  }
0x115: {  	v3 =	vadd.f32 v7, v3;
	[tilespmem:$0x19740] =	vst v1  }
0x116: {  	v0 =	vadd.f32 v0, v4;
	[tilespmem:$0x19750] =	vst v2  }
0x117: {  	[tilespmem:$0x19760] =	vst v3  }
0x118: {  	[tilespmem:$0x19770] =	vst v0  }
0x119: {  	_ =	swait.ge [sflag:s1], $0xC8  }
0x11a: {  	s18 =	sadd.s32 $0xD, s2;
	[sflag:s1] =	ssyncset.done $0x0  }
0x11b: {  	s6 =	simm.s32 $0xCE40;
	s5 =	smin.u32 s18, s7;
	[sflag:s1] =	ssyncadd.s32 $0xFFFFFF38  }
0x11c: {  	[tilespmem:s6], [sflag:$0xD] =	stream.indirect.gather [hbm4b:s4+s17], $0x40, s21, s17, $0xb8;
	[tilespmem:$0x19840] =	vst v63  }
0x11d: {  	s5 =	smul.u32 $0x19, s5;
	_ =	swait.ge [sflag:s0], $0x3200  }
0x11e: {  	s18 =	simm.s32 $0x0;
	[sflag:s0] =	ssyncset.done $0x0  }
0x11f: {  	s5 =	sadd.s32 s3, s5;
	s6 =	simm.s32 $0x0;
	[sflag:s0] =	ssyncadd.s32 $0xFFFFCE00  }
0x120: {  	[tilespmem:s22], [sflag:$0x6] =	stream.linear.gather [hbm4b:s5+s6], $0xC8, $0x38;
	[tilespmem:$0x19840] =	vst v63  }
0x121: {  	v0 =	vld [tilespmem:s18+$0x100B0]  }
0x122: {  	v1 =	vld [tilespmem:s18+$0x10040]  }
0x123: {  	v2 =	vld [tilespmem:s18+$0x10050]  }
0x124: {  	v5 =	vld [tilespmem:s18+$0x10060]  }
0x125: {  	v6 =	vld [tilespmem:s18+$0x10070]  }
0x126: {  	v8 =	vimm.f32 $0.0e+00;
	v3 =	vimm.f32 $0.0e+00;
	v7 =	vld [tilespmem:s18+$0x10080]  }
0x127: {  	v10 =	vimm.f32 $0.0e+00;
	v9 =	vimm.f32 $0.0e+00;
	v11 =	vld [tilespmem:s18+$0x10090];
	v0 =	vadd.f32 v0, v3  }
0x128: {  	v4 =	vimm.f32 $0.0e+00;
	s5 =	simm.s32 $0x80;
	s6 =	simm.s32 $0x400;
	v12 =	vld [tilespmem:s18+$0x100A0];
	v1 =	vadd.f32 v1, v3;
	v2 =	vadd.f32 v2, v3  }
.LBB2_13:
0x129: {  	p0 =	sne.s32 s6, $0xC600;
	v13 =	vld [tilespmem:s5+$0x100B0];
	v3 =	vadd.f32 v5, v3  }
0x12a: {  	v14 =	vld [tilespmem:s5+$0x10040];
	v4 =	vadd.f32 v6, v4  }
0x12b: {  	v15 =	vld [tilespmem:s5+$0x10050];
	v10 =	vadd.f32 v7, v10  }
.Ltmp5:
0x12c: {  	v5 =	vld [tilespmem:s5+$0x10060];
	v8 =	vadd.f32 v11, v8;
	(pc) =	sbr.rel @p0 .LBB2_13-.Ltmp5, $4  }
0x12d: {  	v6 =	vld [tilespmem:s5+$0x10070];
	v9 =	vadd.f32 v12, v9  }
0x12e: {  	v7 =	vld [tilespmem:s5+$0x10080];
	v0 =	vadd.f32 v13, v0  }
0x12f: {  	v1 =	vadd.f32 v14, v1;
	v11 =	vld [tilespmem:s5+$0x10090]  }
0x130: {  	v2 =	vadd.f32 v15, v2;
	v12 =	vld [tilespmem:s5+$0x100A0];
	s5 =	sshra.s32 s6, $0x2;
	s6 =	sadd.s32 $0x200, s6  }
0x131: {  	v13 =	vld [tilespmem:s5+$0x100B0]  }
0x132: {  	v14 =	vld [tilespmem:s5+$0x10040]  }
0x133: {  	v15 =	vld [tilespmem:s5+$0x10050]  }
0x134: {  	v16 =	vld [tilespmem:s5+$0x10060]  }
0x135: {  	v17 =	vld [tilespmem:s5+$0x10080]  }
0x136: {  	v3 =	vadd.f32 v5, v3;
	v5 =	vld [tilespmem:s5+$0x10090]  }
0x137: {  	v4 =	vadd.f32 v6, v4;
	v6 =	vadd.f32 v7, v10;
	v7 =	vld [tilespmem:s5+$0x100A0]  }
0x138: {  	v10 =	vld [tilespmem:s5+$0x10070];
	v8 =	vadd.f32 v11, v8;
	v9 =	vadd.f32 v12, v9  }
0x139: {  	v0 =	vadd.f32 v13, v0;
	v1 =	vadd.f32 v14, v1  }
0x13a: {  	v2 =	vadd.f32 v15, v2;
	v6 =	vadd.f32 v17, v6  }
0x13b: {  	v3 =	vadd.f32 v16, v3;
	v5 =	vadd.f32 v5, v8  }
0x13c: {  	v7 =	vadd.f32 v7, v9;
	v1 =	vadd.f32 v6, v1  }
0x13d: {  	v4 =	vadd.f32 v10, v4;
	v2 =	vadd.f32 v5, v2  }
0x13e: {  	v3 =	vadd.f32 v7, v3;
	[tilespmem:$0x19780] =	vst v1  }
0x13f: {  	v0 =	vadd.f32 v0, v4;
	[tilespmem:$0x19790] =	vst v2  }
0x140: {  	[tilespmem:$0x197A0] =	vst v3  }
0x141: {  	[tilespmem:$0x197B0] =	vst v0  }
0x142: {  	_ =	swait.ge [sflag:s10], $0xC8  }
0x143: {  	s18 =	sadd.s32 $0xE, s2;
	[sflag:s10] =	ssyncset.done $0x0  }
0x144: {  	s6 =	simm.s32 $0x10040;
	s5 =	smin.u32 s18, s7;
	[sflag:s10] =	ssyncadd.s32 $0xFFFFFF38  }
0x145: {  	[tilespmem:s6], [sflag:$0xE] =	stream.indirect.gather [hbm4b:s4+s17], $0x40, s22, s17, $0xb8;
	[tilespmem:$0x19840] =	vst v63  }
0x146: {  	s5 =	smul.u32 $0x19, s5;
	_ =	swait.ge [sflag:s9], $0x3200  }
0x147: {  	s18 =	simm.s32 $0x0;
	[sflag:s9] =	ssyncset.done $0x0  }
0x148: {  	s5 =	sadd.s32 s3, s5;
	s6 =	simm.s32 $0x0;
	[sflag:s9] =	ssyncadd.s32 $0xFFFFCE00  }
0x149: {  	[tilespmem:s23], [sflag:$0x7] =	stream.linear.gather [hbm4b:s5+s6], $0xC8, $0x38;
	[tilespmem:$0x19840] =	vst v63  }
0x14a: {  	v0 =	vld [tilespmem:s18+$0x132B0]  }
0x14b: {  	v1 =	vld [tilespmem:s18+$0x13240]  }
0x14c: {  	v2 =	vld [tilespmem:s18+$0x13250]  }
0x14d: {  	v5 =	vld [tilespmem:s18+$0x13260]  }
0x14e: {  	v6 =	vld [tilespmem:s18+$0x13270]  }
0x14f: {  	v8 =	vimm.f32 $0.0e+00;
	v3 =	vimm.f32 $0.0e+00;
	v7 =	vld [tilespmem:s18+$0x13280]  }
0x150: {  	v10 =	vimm.f32 $0.0e+00;
	v9 =	vimm.f32 $0.0e+00;
	v11 =	vld [tilespmem:s18+$0x13290];
	v0 =	vadd.f32 v0, v3  }
0x151: {  	v4 =	vimm.f32 $0.0e+00;
	s5 =	simm.s32 $0x80;
	s6 =	simm.s32 $0x400;
	v12 =	vld [tilespmem:s18+$0x132A0];
	v1 =	vadd.f32 v1, v3;
	v2 =	vadd.f32 v2, v3  }
.LBB2_15:
0x152: {  	p0 =	sne.s32 s6, $0xC600;
	v13 =	vld [tilespmem:s5+$0x132B0];
	v3 =	vadd.f32 v5, v3  }
0x153: {  	v14 =	vld [tilespmem:s5+$0x13240];
	v4 =	vadd.f32 v6, v4  }
0x154: {  	v15 =	vld [tilespmem:s5+$0x13250];
	v10 =	vadd.f32 v7, v10  }
.Ltmp6:
0x155: {  	v5 =	vld [tilespmem:s5+$0x13260];
	v8 =	vadd.f32 v11, v8;
	(pc) =	sbr.rel @p0 .LBB2_15-.Ltmp6, $4  }
0x156: {  	v6 =	vld [tilespmem:s5+$0x13270];
	v9 =	vadd.f32 v12, v9  }
0x157: {  	v7 =	vld [tilespmem:s5+$0x13280];
	v0 =	vadd.f32 v13, v0  }
0x158: {  	v1 =	vadd.f32 v14, v1;
	v11 =	vld [tilespmem:s5+$0x13290]  }
0x159: {  	v2 =	vadd.f32 v15, v2;
	v12 =	vld [tilespmem:s5+$0x132A0];
	s5 =	sshra.s32 s6, $0x2;
	s6 =	sadd.s32 $0x200, s6  }
0x15a: {  	v13 =	vld [tilespmem:s5+$0x132B0]  }
0x15b: {  	v14 =	vld [tilespmem:s5+$0x13240]  }
0x15c: {  	v15 =	vld [tilespmem:s5+$0x13250]  }
0x15d: {  	v16 =	vld [tilespmem:s5+$0x13260]  }
0x15e: {  	v17 =	vld [tilespmem:s5+$0x13280]  }
0x15f: {  	v3 =	vadd.f32 v5, v3;
	v5 =	vld [tilespmem:s5+$0x13290]  }
0x160: {  	v4 =	vadd.f32 v6, v4;
	v6 =	vadd.f32 v7, v10;
	v7 =	vld [tilespmem:s5+$0x132A0]  }
0x161: {  	v10 =	vld [tilespmem:s5+$0x13270];
	v8 =	vadd.f32 v11, v8;
	v9 =	vadd.f32 v12, v9  }
0x162: {  	v0 =	vadd.f32 v13, v0;
	v1 =	vadd.f32 v14, v1  }
0x163: {  	v2 =	vadd.f32 v15, v2;
	v6 =	vadd.f32 v17, v6  }
0x164: {  	v3 =	vadd.f32 v16, v3;
	v5 =	vadd.f32 v5, v8  }
0x165: {  	v7 =	vadd.f32 v7, v9;
	v1 =	vadd.f32 v6, v1  }
0x166: {  	v4 =	vadd.f32 v10, v4;
	v2 =	vadd.f32 v5, v2  }
0x167: {  	v3 =	vadd.f32 v7, v3;
	[tilespmem:$0x197C0] =	vst v1  }
0x168: {  	v0 =	vadd.f32 v0, v4;
	[tilespmem:$0x197D0] =	vst v2  }
0x169: {  	[tilespmem:$0x197E0] =	vst v3  }
0x16a: {  	[tilespmem:$0x197F0] =	vst v0  }
0x16b: {  	_ =	swait.ge [sflag:s12], $0xC8  }
0x16c: {  	s18 =	sadd.s32 $0xF, s2;
	[sflag:s12] =	ssyncset.done $0x0  }
0x16d: {  	s6 =	simm.s32 $0x13240;
	s5 =	smin.u32 s18, s7;
	[sflag:s12] =	ssyncadd.s32 $0xFFFFFF38  }
0x16e: {  	[tilespmem:s6], [sflag:$0xF] =	stream.indirect.gather [hbm4b:s4+s17], $0x40, s23, s17, $0xb8;
	[tilespmem:$0x19840] =	vst v63  }
0x16f: {  	s5 =	smul.u32 $0x19, s5;
	_ =	swait.ge [sflag:s11], $0x3200  }
0x170: {  	s18 =	simm.s32 $0x0;
	[sflag:s11] =	ssyncset.done $0x0  }
0x171: {  	s5 =	sadd.s32 s3, s5;
	s6 =	simm.s32 $0x0;
	[sflag:s11] =	ssyncadd.s32 $0xFFFFCE00  }
0x172: {  	[tilespmem:s19], [sflag:$0x8] =	stream.linear.gather [hbm4b:s5+s6], $0xC8, $0x38;
	[tilespmem:$0x19840] =	vst v63  }
0x173: {  	v0 =	vld [tilespmem:s18+$0x164B0]  }
0x174: {  	v1 =	vld [tilespmem:s18+$0x16440]  }
0x175: {  	v2 =	vld [tilespmem:s18+$0x16450]  }
0x176: {  	v5 =	vld [tilespmem:s18+$0x16460]  }
0x177: {  	v6 =	vld [tilespmem:s18+$0x16470]  }
0x178: {  	v8 =	vimm.f32 $0.0e+00;
	v3 =	vimm.f32 $0.0e+00;
	v7 =	vld [tilespmem:s18+$0x16480]  }
0x179: {  	v10 =	vimm.f32 $0.0e+00;
	v9 =	vimm.f32 $0.0e+00;
	v11 =	vld [tilespmem:s18+$0x16490];
	v0 =	vadd.f32 v0, v3  }
0x17a: {  	v4 =	vimm.f32 $0.0e+00;
	s5 =	simm.s32 $0x80;
	s6 =	simm.s32 $0x400;
	v12 =	vld [tilespmem:s18+$0x164A0];
	v1 =	vadd.f32 v1, v3;
	v2 =	vadd.f32 v2, v3  }
.LBB2_17:
0x17b: {  	p0 =	sne.s32 s6, $0xC600;
	v13 =	vld [tilespmem:s5+$0x164B0];
	v3 =	vadd.f32 v5, v3  }
0x17c: {  	v14 =	vld [tilespmem:s5+$0x16440];
	v4 =	vadd.f32 v6, v4  }
0x17d: {  	v15 =	vld [tilespmem:s5+$0x16450];
	v10 =	vadd.f32 v7, v10  }
.Ltmp7:
0x17e: {  	v5 =	vld [tilespmem:s5+$0x16460];
	v8 =	vadd.f32 v11, v8;
	(pc) =	sbr.rel @p0 .LBB2_17-.Ltmp7, $4  }
0x17f: {  	v6 =	vld [tilespmem:s5+$0x16470];
	v9 =	vadd.f32 v12, v9  }
0x180: {  	v7 =	vld [tilespmem:s5+$0x16480];
	v0 =	vadd.f32 v13, v0  }
0x181: {  	v1 =	vadd.f32 v14, v1;
	v11 =	vld [tilespmem:s5+$0x16490]  }
0x182: {  	v2 =	vadd.f32 v15, v2;
	v12 =	vld [tilespmem:s5+$0x164A0];
	s5 =	sshra.s32 s6, $0x2;
	s6 =	sadd.s32 $0x200, s6  }
0x183: {  	v13 =	vld [tilespmem:s5+$0x164B0]  }
0x184: {  	v14 =	vld [tilespmem:s5+$0x16440]  }
0x185: {  	v15 =	vld [tilespmem:s5+$0x16450]  }
0x186: {  	v16 =	vld [tilespmem:s5+$0x16460]  }
0x187: {  	v17 =	vld [tilespmem:s5+$0x16480]  }
0x188: {  	v3 =	vadd.f32 v5, v3;
	v60 =	vld [tilespmem:s5+$0x16490]  }
0x189: {  	v63 =	vld [tilespmem:s5+$0x16470];
	v4 =	vadd.f32 v6, v4;
	v61 =	vadd.f32 v7, v10  }
0x18a: {  	v62 =	vld [tilespmem:s5+$0x164A0];
	v8 =	vadd.f32 v11, v8;
	v9 =	vadd.f32 v12, v9  }
0x18b: {  	v0 =	vadd.f32 v13, v0;
	v1 =	vadd.f32 v14, v1  }
0x18c: {  	v2 =	vadd.f32 v15, v2;
	v6 =	vadd.f32 v17, v61  }
0x18d: {  	v3 =	vadd.f32 v16, v3;
	v5 =	vadd.f32 v60, v8  }
0x18e: {  	v4 =	vadd.f32 v63, v4;
	v1 =	vadd.f32 v6, v1  }
0x18f: {  	v7 =	vadd.f32 v62, v9;
	v2 =	vadd.f32 v5, v2  }
0x190: {  	v0 =	vadd.f32 v0, v4;
	[tilespmem:$0x19800] =	vst v1  }
0x191: {  	v3 =	vadd.f32 v7, v3;
	[tilespmem:$0x19810] =	vst v2  }
0x192: {  	[tilespmem:$0x19830] =	vst v0  }
0x193: {  	[tilespmem:$0x19820] =	vst v3  }
0x194: {  	s18 =	simm.s32 $0x16440;
	s2 =	sshll.u32 s2, $0x3;
	_ =	swait.ge [sflag:s14], $0xC8  }
0x195: {  	s15 =	sadd.s32 $0x1, s15;
	[sflag:s14] =	ssyncset.done $0x0;
	s6 =	rddreg [dreg:$0x2]  }
0x196: {  	p0 =	sne.s32 s15, $0x40;
	[sflag:s14] =	ssyncadd.s32 $0xFFFFFF38;
	s2 =	sadd.s32 s6, s2  }
0x197: {  	[tilespmem:s18], [sflag:$0x10] =	stream.indirect.gather [hbm4b:s4+s17], $0x40, s19, s17, $0xb8;
	[tilespmem:$0x19840] =	vst v63  }
.Ltmp8:
0x198: {  	s6 =	simm.s32 $0x19640;
	s18 =	simm.s32 $0x0;
	(pc) =	sbr.rel @p0 .LBB2_2-.Ltmp8, $4  }
0x199: {  	[hbm4b:s2+s18] =	stream.linear.scatter [tilespmem:s6], [sflag:$0x11], $0x200, $0x38;
	[tilespmem:$0x19840] =	vst v63  }
0x19a: {  	_ =	swait.ge [sflag:s13], $0x200  }
0x19b: {  	[sflag:s13] =	ssyncset.done $0x0  }
0x19c: {  	[sflag:s13] =	ssyncadd.s32 $0xFFFFFE00  }
0x19d: {  	_ =	swait.ge [sflag:s16], $0x3200  }
0x19e: {  	[sflag:s16] =	ssyncset.done $0x0  }
0x19f: {  	[sflag:s16] =	ssyncadd.s32 $0xFFFFCE00  }
0x1a0: {  	_ =	swait.ge [sflag:s8], $0x3200  }
0x1a1: {  	[sflag:s8] =	ssyncset.done $0x0  }
0x1a2: {  	[sflag:s8] =	ssyncadd.s32 $0xFFFFCE00  }
0x1a3: {  	_ =	swait.ge [sflag:s25], $0x3200  }
0x1a4: {  	[sflag:s25] =	ssyncset.done $0x0  }
0x1a5: {  	[sflag:s25] =	ssyncadd.s32 $0xFFFFCE00  }
0x1a6: {  	_ =	swait.ge [sflag:s28], $0x3200  }
0x1a7: {  	[sflag:s28] =	ssyncset.done $0x0  }
0x1a8: {  	[sflag:s28] =	ssyncadd.s32 $0xFFFFCE00  }
0x1a9: {  	_ =	swait.ge [sflag:s30], $0x3200  }
0x1aa: {  	[sflag:s30] =	ssyncset.done $0x0  }
0x1ab: {  	[sflag:s30] =	ssyncadd.s32 $0xFFFFCE00  }
0x1ac: {  	_ =	swait.ge [sflag:s0], $0x3200  }
0x1ad: {  	[sflag:s0] =	ssyncset.done $0x0  }
0x1ae: {  	[sflag:s0] =	ssyncadd.s32 $0xFFFFCE00  }
0x1af: {  	_ =	swait.ge [sflag:s9], $0x3200  }
0x1b0: {  	[sflag:s9] =	ssyncset.done $0x0  }
0x1b1: {  	[sflag:s9] =	ssyncadd.s32 $0xFFFFCE00  }
0x1b2: {  	_ =	swait.ge [sflag:s11], $0x3200  }
0x1b3: {  	s5 =	rddreg [dreg:$0xd]  }
0x1b4: {  	s2 =	rddreg [dreg:$0xc];
	s5 =	sadd.s32 $0x1, s5  }
0x1b5: {  	p0 =	sne.s32 s5, s2  }
.Ltmp9:
0x1b6: {  	_ = 	snop;
	(pc) =	sbr.rel @p0 .LBB2_1-.Ltmp9, $3  }
0x1b7: {  	_ =	sdelay $0x1  }
0x1b8: {  	[sflag:s11] =	ssyncset.done $0x0  }
0x1b9: {  	[sflag:s11] =	ssyncadd.s32 $0xFFFFCE00  }
0x1ba: {  	_ =	sfence.sel $0x180000  }
0x1bb: {  	[bflag:$0x0] =	sbarrier.arrive $0xFFFF  }
0x1bc: {  	_ =	strace $0x90000047  }
0x1bd: {  	s0 =	stileid.u32;
	[bflag:$0x2] =	sbarrier.arrive $0xFFFF  }
0x1be: {  	p0 =	sne.s32 s0, $0x0;
	s0 =	rddreg [dreg:$0x1]  }
0x1bf: {  	s0 =	sadd.s32 @!p0 $0x100000, s0  }
0x1c0: {  	[sflag:s0] =	ssyncadd.tile.s32 @!p0 $0x1;
	_ =	shalt  }
.Lfunc_end2:
_tile_overlayer_lowered:
.L_overlay_start_2:
0x1c1: {  	(tag) =	ssettag $0x2  }
0x1c2: {  	s0 =	rddreg [dreg:$0x0];
	s2 =	stileid.u32  }
0x1c3: {  	s1 =	rddreg [dreg:$0x1];
	p0 =	sne.s32 s2, $0x0  }
0x1c4: {  	s3 =	rddreg [dreg:$0x2];
	[bflag:$0x3] =	sbarrier.arrive $0xFFFF;
	s2 =	simm.s32 @!p0 $0x1C11  }
0x1c5: {  	[timem:s3], [sflag:s2] =	dma.local @!p0 [hbm:s0], s1  }
0x1c6: {  	s0 =	simm.s32 @!p0 $0x11  }
0x1c7: {  	_ =	swait.ge @!p0 [sflag:s0], s1  }
0x1c8: {  	s1 =	ssub.s32 @!p0 $0x0, s1;
	[sflag:s0] =	ssyncset.done @!p0 $0x0  }
0x1c9: {  	[sflag:s0] =	ssyncadd.s32 @!p0 s1  }
0x1ca: {  	[bflag:$0x3] =	sbarrier.arrive $0xFFFF  }
0x1cb: {  	_ =	shalt  }

</sc_bundles>
